<compile_context>
chip_gen: v7x
topology: tpu7x:2x2x1
jax: 0.10.2.dev20260603
libtpu: 0.0.44.dev20260713+nightly
codegen_flags: <defaults>
</compile_context>

<pallas_src>
import functools

import jax
import jax.numpy as jnp
from jax import lax
from jax.experimental import pallas as pl
from jax.experimental.pallas import tpu as pltpu
from jax.experimental.pallas import tpu_sc as plsc

NC = 2
NS = 16
NW = NC * NS
CHUNK = 128
K = 2
SUB = 4
ZB = 128
NSTAGE = 1


def _row_chunks(total):
    out = [(t * ZB, ZB) for t in range(total // ZB)]
    if total % ZB:
        out.append(((total // ZB) * ZB, total % ZB))
    return out


def _make_sc_gather(d, cpt, zr):
    xrows = NS * zr
    spc = cpt // NSTAGE
    ept = cpt * CHUNK
    mesh = plsc.VectorSubcoreMesh(core_axis_name="c", subcore_axis_name="s")

    @functools.partial(
        pl.kernel,
        out_type=jax.ShapeDtypeStruct((NW * ept, d), jnp.float32),
        mesh=mesh,
        scratch_types=[
            pltpu.VMEM((spc, CHUNK), jnp.int32),
            pltpu.VMEM((K * CHUNK, d), jnp.float32),
            pltpu.VMEM_SHARED((xrows, d), jnp.float32),
            pltpu.SemaphoreType.DMA,
            pltpu.SemaphoreType.DMA,
        ],
    )
    def sc_gather(x_hbm, srcw_hbm, out_hbm, src_v, rows_v, x_sh, gsem, wsem):
        cid = lax.axis_index("c")
        sid = lax.axis_index("s")
        wid = cid * NS + sid

        xbase = sid * zr
        for off, ln in _row_chunks(zr):
            pltpu.sync_copy(x_hbm.at[pl.ds(xbase + off, ln)],
                            rows_v.at[pl.ds(0, ln)])
            pltpu.sync_copy(rows_v.at[pl.ds(0, ln)],
                            x_sh.at[pl.ds(xbase + off, ln)])
        plsc.subcore_barrier()

        ebase = wid * ept
        sr = CHUNK // SUB

        def body(p, carry):
            base = p * K
            gs = [pltpu.async_copy(
                      x_sh.at[src_v.at[base + k, pl.ds(q * sr, sr)]],
                      rows_v.at[pl.ds((k * SUB + q) * sr, sr)], gsem)
                  for k in range(K) for q in range(SUB)]
            for g in gs:
                g.wait()
            pltpu.async_copy(
                rows_v,
                out_hbm.at[pl.ds(ebase + base * CHUNK, K * CHUNK)],
                wsem).wait()
            return carry

        for s in range(NSTAGE):
            pltpu.sync_copy(srcw_hbm.at[wid, pl.ds(s * spc, spc)], src_v)
            lax.fori_loop(0, spc // K, body, 0)

    return sc_gather


def _make_sc_scatter(d, cpt, zr):
    aggr = NS * zr
    spc = cpt // NSTAGE
    ept = cpt * CHUNK
    mesh = plsc.VectorSubcoreMesh(core_axis_name="c", subcore_axis_name="s")

    @functools.partial(
        pl.kernel,
        out_type=jax.ShapeDtypeStruct((NC * aggr, d), jnp.float32),
        mesh=mesh,
        scratch_types=[
            pltpu.VMEM((spc, CHUNK), jnp.int32),
            pltpu.VMEM((K * CHUNK, d), jnp.float32),
            pltpu.VMEM_SHARED((aggr, d), jnp.float32),
            pltpu.SemaphoreType.DMA,
            pltpu.SemaphoreType.DMA,
        ],
    )
    def sc_scatter(rows_hbm, dstw_hbm, zero_hbm, out_hbm,
                   dst_v, rows_v, agg_sh, gsem, ssem):
        cid = lax.axis_index("c")
        sid = lax.axis_index("s")
        wid = cid * NS + sid

        pltpu.sync_copy(zero_hbm, rows_v.at[pl.ds(0, ZB)])
        zbase = sid * zr
        for off, ln in _row_chunks(zr):
            pltpu.sync_copy(rows_v.at[pl.ds(0, ln)],
                            agg_sh.at[pl.ds(zbase + off, ln)])
        plsc.subcore_barrier()

        ebase = wid * ept

        def body(p, carry):
            base = p * K
            pltpu.async_copy(
                rows_hbm.at[pl.ds(ebase + base * CHUNK, K * CHUNK)],
                rows_v, gsem).wait()
            ss = [pltpu.async_copy(rows_v.at[pl.ds(k * CHUNK, CHUNK)],
                                   agg_sh.at[dst_v.at[base + k]], ssem,
                                   add=True)
                  for k in range(K)]
            for s_ in ss:
                s_.wait()
            return carry

        for s in range(NSTAGE):
            pltpu.sync_copy(dstw_hbm.at[wid, pl.ds(s * spc, spc)], dst_v)
            lax.fori_loop(0, spc // K, body, 0)
        plsc.subcore_barrier()

        obase = cid * aggr + zbase
        for off, ln in _row_chunks(zr):
            pltpu.sync_copy(agg_sh.at[pl.ds(zbase + off, ln)],
                            rows_v.at[pl.ds(0, ln)])
            pltpu.sync_copy(rows_v.at[pl.ds(0, ln)],
                            out_hbm.at[pl.ds(obase + off, ln)])

    return sc_scatter


def _mlp_body(n, x_ref, p_ref, w1_ref, w1t_ref, b1_ref, gamma_ref, beta_ref,
              w2_ref, w2t_ref, b2_ref, u1_ref, u2_ref, out_ref):
    f32 = jnp.float32
    hi = lax.Precision.HIGHEST

    h = x_ref[...] + p_ref[0, :n, :] + p_ref[1, :n, :]

    u1 = u1_ref[...]
    v1 = jnp.dot(u1, w1_ref[...], precision=hi, preferred_element_type=f32)
    v1 = v1 / (jnp.sqrt(jnp.sum(v1 * v1)) + 1e-12)
    wv1 = jnp.dot(v1, w1t_ref[...], precision=hi, preferred_element_type=f32)
    sigma1 = jnp.sum(wv1 * wv1) / (jnp.sqrt(jnp.sum(wv1 * wv1)) + 1e-12)

    h1 = jnp.dot(h, w1t_ref[...], precision=hi, preferred_element_type=f32)
    h1 = h1 / sigma1 + b1_ref[...]
    h1 = jnp.maximum(h1, 0.0)

    mean = jnp.mean(h1, axis=0, keepdims=True)
    var = jnp.mean((h1 - mean) * (h1 - mean), axis=0, keepdims=True)
    hn = (h1 - mean) / jnp.sqrt(var + 1e-5) * gamma_ref[...] + beta_ref[...]

    u2 = u2_ref[...]
    v2 = jnp.dot(u2, w2_ref[...], precision=hi, preferred_element_type=f32)
    v2 = v2 / (jnp.sqrt(jnp.sum(v2 * v2)) + 1e-12)
    wv2 = jnp.dot(v2, w2t_ref[...], precision=hi, preferred_element_type=f32)
    sigma2 = jnp.sum(wv2 * wv2) / (jnp.sqrt(jnp.sum(wv2 * wv2)) + 1e-12)

    o = jnp.dot(hn, w2t_ref[...], precision=hi, preferred_element_type=f32)
    out_ref[...] = o / sigma2 + b2_ref[...]


def kernel(x, edge_index, W1, b1, u1, gamma, beta, W2, b2, u2):
    n, d = x.shape
    e = edge_index.shape[1]
    nhid = W1.shape[0]

    cpt = -(-e // (NW * CHUNK))
    cpt = -(-cpt // (NSTAGE * K)) * (NSTAGE * K)
    e_pad = NW * cpt * CHUNK
    zr = -(-(n + 1) // NS)
    zr = -(-zr // 8) * 8

    src = edge_index[0].astype(jnp.int32)
    dst = edge_index[1].astype(jnp.int32)
    pad = e_pad - e
    srcw = jnp.concatenate([src, jnp.zeros((pad,), jnp.int32)]).reshape(
        NW, cpt, CHUNK)
    dst_pad = n + jnp.arange(pad, dtype=jnp.int32) % jnp.int32(NS * zr - n)
    dstw = jnp.concatenate([dst, dst_pad]).reshape(NW, cpt, CHUNK)
    zero = jnp.zeros((ZB, d), jnp.float32)
    xp = jnp.concatenate([x, jnp.zeros((NS * zr - n, d), jnp.float32)])

    sc_gather = _make_sc_gather(d, cpt, zr)
    rows = sc_gather(xp, srcw)
    sc_scatter = _make_sc_scatter(d, cpt, zr)
    partials = sc_scatter(rows, dstw, zero)
    aggr = NS * zr
    p = partials.reshape(NC, aggr, d)

    vspec = pl.BlockSpec(memory_space=pltpu.VMEM)
    out = pl.pallas_call(
        functools.partial(_mlp_body, n),
        out_shape=jax.ShapeDtypeStruct((n, nhid), jnp.float32),
        in_specs=[vspec] * 12,
        out_specs=vspec,
    )(x, p, W1, W1.T, b1.reshape(1, nhid), gamma.reshape(1, nhid),
      beta.reshape(1, nhid), W2, W2.T, b2.reshape(1, nhid),
      u1.reshape(1, nhid), u2.reshape(1, nhid))
    return out

# --- scband reference (transcript-rebuilt; emitter-appended) ---
"""Pipeline reference for scband-gin-5385888989902 (READ-ONLY COPY).

The authoritative reference and input builder live on the scoring server;
editing this copy changes nothing except your own understanding.
"""

import jax, jax.numpy as jnp
import numpy as np


def _spectral_norm_weight(W, u):
    # one power-iteration step, matching torch.nn.utils.spectral_norm forward (training)
    v = W.T @ u
    v = v / (jnp.linalg.norm(v) + 1e-12)
    u2 = W @ v
    u2 = u2 / (jnp.linalg.norm(u2) + 1e-12)
    u2 = jax.lax.stop_gradient(u2)
    v = jax.lax.stop_gradient(v)
    sigma = u2 @ (W @ v)
    return W / sigma


def setup_inputs(seed: int = 0) -> dict:
    key = jax.random.key(seed)
    ks = jax.random.split(key, 10)
    N, E, nfeat, nhid = 10000, 320000, 128, 128
    x = jax.random.normal(ks[0], (N, nfeat), dtype=jnp.float32)
    edge_index = jax.random.randint(ks[1], (2, E), 0, N)
    s1 = 1.0 / np.sqrt(nfeat)
    s2 = 1.0 / np.sqrt(nhid)
    W1 = jax.random.uniform(ks[2], (nhid, nfeat), minval=-s1, maxval=s1, dtype=jnp.float32)
    b1 = jax.random.uniform(ks[3], (nhid,), minval=-s1, maxval=s1, dtype=jnp.float32)
    u1 = jax.random.normal(ks[4], (nhid,), dtype=jnp.float32)
    u1 = u1 / (jnp.linalg.norm(u1) + 1e-12)
    gamma = jnp.ones((nhid,), dtype=jnp.float32)
    beta = jnp.zeros((nhid,), dtype=jnp.float32)
    W2 = jax.random.uniform(ks[5], (nhid, nhid), minval=-s2, maxval=s2, dtype=jnp.float32)
    b2 = jax.random.uniform(ks[6], (nhid,), minval=-s2, maxval=s2, dtype=jnp.float32)
    u2 = jax.random.normal(ks[7], (nhid,), dtype=jnp.float32)
    u2 = u2 / (jnp.linalg.norm(u2) + 1e-12)
    return {"x": x, "edge_index": edge_index, "W1": W1, "b1": b1, "u1": u1,
            "gamma": gamma, "beta": beta, "W2": W2, "b2": b2, "u2": u2}


def reference(x, edge_index, W1, b1, u1, gamma, beta, W2, b2, u2):
    # GINConv: h = MLP((1+eps)*x + sum_{j in N(i)} x_j), eps=0 (torch_geometric default)
    src = edge_index[0]
    dst = edge_index[1]
    agg = jnp.zeros_like(x).at[dst].add(x[src])
    h = x + agg
    # MLP: SN-Linear -> ReLU -> BatchNorm1d (training, batch stats) -> SN-Linear
    W1n = _spectral_norm_weight(W1, u1)
    h = h @ W1n.T + b1
    h = jax.nn.relu(h)
    mean = jnp.mean(h, axis=0)
    var = jnp.var(h, axis=0)
    h = (h - mean) / jnp.sqrt(var + 1e-5) * gamma + beta
    W2n = _spectral_norm_weight(W2, u2)
    h = h @ W2n.T + b2
    return h

if __name__ == "__main__":
    import jax
    _d = setup_inputs()
    print(jax.jit(kernel)(*tuple(_d.values())))

</pallas_src>

<mosaic_0001>
#map = affine_map<(d0, d1) -> (0, 0)>
#map1 = affine_map<(d0, d1) -> (0, 0, 0)>
module attributes {stable_mosaic.version = 14 : i64} {
  func.func @sc_gather(%arg0: i32, %arg1: i32, %arg2: memref<10112x128xf32, #tpu.memory_space<hbm>>, %arg3: memref<32x80x128xi32, #tpu.memory_space<hbm>>, %arg4: memref<327680x128xf32, #tpu.memory_space<hbm>>, %arg5: memref<80x128xi32, #tpu.memory_space<vmem>>, %arg6: memref<256x128xf32, #tpu.memory_space<vmem>>, %arg7: memref<10112x128xf32, #tpu.memory_space<vmem_shared>>, %arg8: memref<!tpu.dma_semaphore, #tpu.memory_space<semaphore_mem>>, %arg9: memref<!tpu.dma_semaphore, #tpu.memory_space<semaphore_mem>>) attributes {dimension_semantics = [#tpu.dimension_semantics<core_parallel>, #tpu.dimension_semantics<subcore_parallel>], iteration_bounds = array<i64: 2, 16>, scalar_prefetch = 0 : i64, scratch_operands = 5 : i64, tpu.core_type = #tpu.core_type<sc_vector_subcore>, window_params = [{transform_indices = #map}, {transform_indices = #map1}, {transform_indices = #map}]} {
    %mul3A = arith.constant 16 : i32
    %mul3A_0 = arith.muli %arg0, %mul3A : i32
    %add3A = arith.addi %mul3A_0, %arg1 : i32
    %mul3A_1 = arith.constant 632 : i32
    %mul3A_2 = arith.muli %arg1, %mul3A_1 : i32
    %add3A_3 = arith.constant 0 : i32
    %add3A_4 = arith.addi %mul3A_2, %add3A_3 : i32
    "tpu.region"() ({
      %run_scoped3A = tpu.sem_alloc : memref<!tpu.dma_semaphore, #tpu.memory_space<semaphore_mem>>
      %dma_start3A = arith.constant 0 : i32
      %dma_start3A_30 = arith.constant 0 : i32
      %dma_start3A_31 = tpu.memref_slice %arg6[%dma_start3A, %dma_start3A_30] : memref<256x128xf32, #tpu.memory_space<vmem>> -> memref<128x128xf32, #tpu.memory_space<vmem>>
      %dma_start3A_32 = arith.constant 0 : i32
      %dma_start3A_33 = tpu.memref_slice %arg2[%add3A_4, %dma_start3A_32] : memref<10112x128xf32, #tpu.memory_space<hbm>> -> memref<128x128xf32, #tpu.memory_space<hbm>>
      %dma_start3A_34 = arith.constant 0 : i32
      %dma_start3A_35 = arith.constant 0 : i32
      %dma_start3A_36 = tpu.memref_slice %arg6[%dma_start3A_34, %dma_start3A_35] : memref<256x128xf32, #tpu.memory_space<vmem>> -> memref<128x128xf32, #tpu.memory_space<vmem>>
      %dma_start3A_37 = arith.constant 0 : i32
      %dma_start3A_38 = tpu.memref_slice %arg2[%add3A_4, %dma_start3A_37] : memref<10112x128xf32, #tpu.memory_space<hbm>> -> memref<128x128xf32, #tpu.memory_space<hbm>>
      tpu.enqueue_dma source(%dma_start3A_38 : memref<128x128xf32, #tpu.memory_space<hbm>>) target(%dma_start3A_36 : memref<128x128xf32, #tpu.memory_space<vmem>>) target_semaphore(%run_scoped3A : memref<!tpu.dma_semaphore, #tpu.memory_space<semaphore_mem>>)
      %dma_wait3A = arith.constant 0 : i32
      %dma_wait3A_39 = arith.constant 0 : i32
      %dma_wait3A_40 = tpu.memref_slice %arg6[%dma_wait3A, %dma_wait3A_39] : memref<256x128xf32, #tpu.memory_space<vmem>> -> memref<128x128xf32, #tpu.memory_space<vmem>>
      %dma_wait3A_41 = arith.constant 0 : i32
      %dma_wait3A_42 = tpu.memref_slice %arg2[%add3A_4, %dma_wait3A_41] : memref<10112x128xf32, #tpu.memory_space<hbm>> -> memref<128x128xf32, #tpu.memory_space<hbm>>
      %dma_wait3A_43 = arith.constant 0 : i32
      %dma_wait3A_44 = arith.constant 0 : i32
      %dma_wait3A_45 = tpu.memref_slice %arg6[%dma_wait3A_43, %dma_wait3A_44] : memref<256x128xf32, #tpu.memory_space<vmem>> -> memref<128x128xf32, #tpu.memory_space<vmem>>
      %dma_wait3A_46 = arith.constant 0 : i32
      %dma_wait3A_47 = tpu.memref_slice %arg2[%add3A_4, %dma_wait3A_46] : memref<10112x128xf32, #tpu.memory_space<hbm>> -> memref<128x128xf32, #tpu.memory_space<hbm>>
      tpu.wait_dma2 semaphore(%run_scoped3A : memref<!tpu.dma_semaphore, #tpu.memory_space<semaphore_mem>>) src(%dma_wait3A_47 : memref<128x128xf32, #tpu.memory_space<hbm>>) dst(%dma_wait3A_45 : memref<128x128xf32, #tpu.memory_space<vmem>>)
      tpu.yield
    }) : () -> ()
    %add3A_5 = arith.constant 0 : i32
    %add3A_6 = arith.addi %mul3A_2, %add3A_5 : i32
    "tpu.region"() ({
      %run_scoped3A = tpu.sem_alloc : memref<!tpu.dma_semaphore, #tpu.memory_space<semaphore_mem>>
      %dma_start3A = arith.constant 0 : i32
      %dma_start3A_30 = arith.constant 0 : i32
      %dma_start3A_31 = tpu.memref_slice %arg6[%dma_start3A, %dma_start3A_30] : memref<256x128xf32, #tpu.memory_space<vmem>> -> memref<128x128xf32, #tpu.memory_space<vmem>>
      %dma_start3A_32 = arith.constant 0 : i32
      %dma_start3A_33 = tpu.memref_slice %arg7[%add3A_6, %dma_start3A_32] : memref<10112x128xf32, #tpu.memory_space<vmem_shared>> -> memref<128x128xf32, #tpu.memory_space<vmem_shared>>
      %dma_start3A_34 = arith.constant 0 : i32
      %dma_start3A_35 = tpu.memref_slice %arg7[%add3A_6, %dma_start3A_34] : memref<10112x128xf32, #tpu.memory_space<vmem_shared>> -> memref<128x128xf32, #tpu.memory_space<vmem_shared>>
      %dma_start3A_36 = arith.constant 0 : i32
      %dma_start3A_37 = arith.constant 0 : i32
      %dma_start3A_38 = tpu.memref_slice %arg6[%dma_start3A_36, %dma_start3A_37] : memref<256x128xf32, #tpu.memory_space<vmem>> -> memref<128x128xf32, #tpu.memory_space<vmem>>
      tpu.enqueue_dma source(%dma_start3A_38 : memref<128x128xf32, #tpu.memory_space<vmem>>) target(%dma_start3A_35 : memref<128x128xf32, #tpu.memory_space<vmem_shared>>) target_semaphore(%run_scoped3A : memref<!tpu.dma_semaphore, #tpu.memory_space<semaphore_mem>>)
      %dma_wait3A = arith.constant 0 : i32
      %dma_wait3A_39 = arith.constant 0 : i32
      %dma_wait3A_40 = tpu.memref_slice %arg6[%dma_wait3A, %dma_wait3A_39] : memref<256x128xf32, #tpu.memory_space<vmem>> -> memref<128x128xf32, #tpu.memory_space<vmem>>
      %dma_wait3A_41 = arith.constant 0 : i32
      %dma_wait3A_42 = tpu.memref_slice %arg7[%add3A_6, %dma_wait3A_41] : memref<10112x128xf32, #tpu.memory_space<vmem_shared>> -> memref<128x128xf32, #tpu.memory_space<vmem_shared>>
      %dma_wait3A_43 = arith.constant 0 : i32
      %dma_wait3A_44 = tpu.memref_slice %arg7[%add3A_6, %dma_wait3A_43] : memref<10112x128xf32, #tpu.memory_space<vmem_shared>> -> memref<128x128xf32, #tpu.memory_space<vmem_shared>>
      %dma_wait3A_45 = arith.constant 0 : i32
      %dma_wait3A_46 = arith.constant 0 : i32
      %dma_wait3A_47 = tpu.memref_slice %arg6[%dma_wait3A_45, %dma_wait3A_46] : memref<256x128xf32, #tpu.memory_space<vmem>> -> memref<128x128xf32, #tpu.memory_space<vmem>>
      tpu.wait_dma2 semaphore(%run_scoped3A : memref<!tpu.dma_semaphore, #tpu.memory_space<semaphore_mem>>) src(%dma_wait3A_47 : memref<128x128xf32, #tpu.memory_space<vmem>>) dst(%dma_wait3A_44 : memref<128x128xf32, #tpu.memory_space<vmem_shared>>)
      tpu.yield
    }) : () -> ()
    %add3A_7 = arith.constant 128 : i32
    %add3A_8 = arith.addi %mul3A_2, %add3A_7 : i32
    "tpu.region"() ({
      %run_scoped3A = tpu.sem_alloc : memref<!tpu.dma_semaphore, #tpu.memory_space<semaphore_mem>>
      %dma_start3A = arith.constant 0 : i32
      %dma_start3A_30 = arith.constant 0 : i32
      %dma_start3A_31 = tpu.memref_slice %arg6[%dma_start3A, %dma_start3A_30] : memref<256x128xf32, #tpu.memory_space<vmem>> -> memref<128x128xf32, #tpu.memory_space<vmem>>
      %dma_start3A_32 = arith.constant 0 : i32
      %dma_start3A_33 = tpu.memref_slice %arg2[%add3A_8, %dma_start3A_32] : memref<10112x128xf32, #tpu.memory_space<hbm>> -> memref<128x128xf32, #tpu.memory_space<hbm>>
      %dma_start3A_34 = arith.constant 0 : i32
      %dma_start3A_35 = arith.constant 0 : i32
      %dma_start3A_36 = tpu.memref_slice %arg6[%dma_start3A_34, %dma_start3A_35] : memref<256x128xf32, #tpu.memory_space<vmem>> -> memref<128x128xf32, #tpu.memory_space<vmem>>
      %dma_start3A_37 = arith.constant 0 : i32
      %dma_start3A_38 = tpu.memref_slice %arg2[%add3A_8, %dma_start3A_37] : memref<10112x128xf32, #tpu.memory_space<hbm>> -> memref<128x128xf32, #tpu.memory_space<hbm>>
      tpu.enqueue_dma source(%dma_start3A_38 : memref<128x128xf32, #tpu.memory_space<hbm>>) target(%dma_start3A_36 : memref<128x128xf32, #tpu.memory_space<vmem>>) target_semaphore(%run_scoped3A : memref<!tpu.dma_semaphore, #tpu.memory_space<semaphore_mem>>)
      %dma_wait3A = arith.constant 0 : i32
      %dma_wait3A_39 = arith.constant 0 : i32
      %dma_wait3A_40 = tpu.memref_slice %arg6[%dma_wait3A, %dma_wait3A_39] : memref<256x128xf32, #tpu.memory_space<vmem>> -> memref<128x128xf32, #tpu.memory_space<vmem>>
      %dma_wait3A_41 = arith.constant 0 : i32
      %dma_wait3A_42 = tpu.memref_slice %arg2[%add3A_8, %dma_wait3A_41] : memref<10112x128xf32, #tpu.memory_space<hbm>> -> memref<128x128xf32, #tpu.memory_space<hbm>>
      %dma_wait3A_43 = arith.constant 0 : i32
      %dma_wait3A_44 = arith.constant 0 : i32
      %dma_wait3A_45 = tpu.memref_slice %arg6[%dma_wait3A_43, %dma_wait3A_44] : memref<256x128xf32, #tpu.memory_space<vmem>> -> memref<128x128xf32, #tpu.memory_space<vmem>>
      %dma_wait3A_46 = arith.constant 0 : i32
      %dma_wait3A_47 = tpu.memref_slice %arg2[%add3A_8, %dma_wait3A_46] : memref<10112x128xf32, #tpu.memory_space<hbm>> -> memref<128x128xf32, #tpu.memory_space<hbm>>
      tpu.wait_dma2 semaphore(%run_scoped3A : memref<!tpu.dma_semaphore, #tpu.memory_space<semaphore_mem>>) src(%dma_wait3A_47 : memref<128x128xf32, #tpu.memory_space<hbm>>) dst(%dma_wait3A_45 : memref<128x128xf32, #tpu.memory_space<vmem>>)
      tpu.yield
    }) : () -> ()
    %add3A_9 = arith.constant 128 : i32
    %add3A_10 = arith.addi %mul3A_2, %add3A_9 : i32
    "tpu.region"() ({
      %run_scoped3A = tpu.sem_alloc : memref<!tpu.dma_semaphore, #tpu.memory_space<semaphore_mem>>
      %dma_start3A = arith.constant 0 : i32
      %dma_start3A_30 = arith.constant 0 : i32
      %dma_start3A_31 = tpu.memref_slice %arg6[%dma_start3A, %dma_start3A_30] : memref<256x128xf32, #tpu.memory_space<vmem>> -> memref<128x128xf32, #tpu.memory_space<vmem>>
      %dma_start3A_32 = arith.constant 0 : i32
      %dma_start3A_33 = tpu.memref_slice %arg7[%add3A_10, %dma_start3A_32] : memref<10112x128xf32, #tpu.memory_space<vmem_shared>> -> memref<128x128xf32, #tpu.memory_space<vmem_shared>>
      %dma_start3A_34 = arith.constant 0 : i32
      %dma_start3A_35 = tpu.memref_slice %arg7[%add3A_10, %dma_start3A_34] : memref<10112x128xf32, #tpu.memory_space<vmem_shared>> -> memref<128x128xf32, #tpu.memory_space<vmem_shared>>
      %dma_start3A_36 = arith.constant 0 : i32
      %dma_start3A_37 = arith.constant 0 : i32
      %dma_start3A_38 = tpu.memref_slice %arg6[%dma_start3A_36, %dma_start3A_37] : memref<256x128xf32, #tpu.memory_space<vmem>> -> memref<128x128xf32, #tpu.memory_space<vmem>>
      tpu.enqueue_dma source(%dma_start3A_38 : memref<128x128xf32, #tpu.memory_space<vmem>>) target(%dma_start3A_35 : memref<128x128xf32, #tpu.memory_space<vmem_shared>>) target_semaphore(%run_scoped3A : memref<!tpu.dma_semaphore, #tpu.memory_space<semaphore_mem>>)
      %dma_wait3A = arith.constant 0 : i32
      %dma_wait3A_39 = arith.constant 0 : i32
      %dma_wait3A_40 = tpu.memref_slice %arg6[%dma_wait3A, %dma_wait3A_39] : memref<256x128xf32, #tpu.memory_space<vmem>> -> memref<128x128xf32, #tpu.memory_space<vmem>>
      %dma_wait3A_41 = arith.constant 0 : i32
      %dma_wait3A_42 = tpu.memref_slice %arg7[%add3A_10, %dma_wait3A_41] : memref<10112x128xf32, #tpu.memory_space<vmem_shared>> -> memref<128x128xf32, #tpu.memory_space<vmem_shared>>
      %dma_wait3A_43 = arith.constant 0 : i32
      %dma_wait3A_44 = tpu.memref_slice %arg7[%add3A_10, %dma_wait3A_43] : memref<10112x128xf32, #tpu.memory_space<vmem_shared>> -> memref<128x128xf32, #tpu.memory_space<vmem_shared>>
      %dma_wait3A_45 = arith.constant 0 : i32
      %dma_wait3A_46 = arith.constant 0 : i32
      %dma_wait3A_47 = tpu.memref_slice %arg6[%dma_wait3A_45, %dma_wait3A_46] : memref<256x128xf32, #tpu.memory_space<vmem>> -> memref<128x128xf32, #tpu.memory_space<vmem>>
      tpu.wait_dma2 semaphore(%run_scoped3A : memref<!tpu.dma_semaphore, #tpu.memory_space<semaphore_mem>>) src(%dma_wait3A_47 : memref<128x128xf32, #tpu.memory_space<vmem>>) dst(%dma_wait3A_44 : memref<128x128xf32, #tpu.memory_space<vmem_shared>>)
      tpu.yield
    }) : () -> ()
    %add3A_11 = arith.constant 256 : i32
    %add3A_12 = arith.addi %mul3A_2, %add3A_11 : i32
    "tpu.region"() ({
      %run_scoped3A = tpu.sem_alloc : memref<!tpu.dma_semaphore, #tpu.memory_space<semaphore_mem>>
      %dma_start3A = arith.constant 0 : i32
      %dma_start3A_30 = arith.constant 0 : i32
      %dma_start3A_31 = tpu.memref_slice %arg6[%dma_start3A, %dma_start3A_30] : memref<256x128xf32, #tpu.memory_space<vmem>> -> memref<128x128xf32, #tpu.memory_space<vmem>>
      %dma_start3A_32 = arith.constant 0 : i32
      %dma_start3A_33 = tpu.memref_slice %arg2[%add3A_12, %dma_start3A_32] : memref<10112x128xf32, #tpu.memory_space<hbm>> -> memref<128x128xf32, #tpu.memory_space<hbm>>
      %dma_start3A_34 = arith.constant 0 : i32
      %dma_start3A_35 = arith.constant 0 : i32
      %dma_start3A_36 = tpu.memref_slice %arg6[%dma_start3A_34, %dma_start3A_35] : memref<256x128xf32, #tpu.memory_space<vmem>> -> memref<128x128xf32, #tpu.memory_space<vmem>>
      %dma_start3A_37 = arith.constant 0 : i32
      %dma_start3A_38 = tpu.memref_slice %arg2[%add3A_12, %dma_start3A_37] : memref<10112x128xf32, #tpu.memory_space<hbm>> -> memref<128x128xf32, #tpu.memory_space<hbm>>
      tpu.enqueue_dma source(%dma_start3A_38 : memref<128x128xf32, #tpu.memory_space<hbm>>) target(%dma_start3A_36 : memref<128x128xf32, #tpu.memory_space<vmem>>) target_semaphore(%run_scoped3A : memref<!tpu.dma_semaphore, #tpu.memory_space<semaphore_mem>>)
      %dma_wait3A = arith.constant 0 : i32
      %dma_wait3A_39 = arith.constant 0 : i32
      %dma_wait3A_40 = tpu.memref_slice %arg6[%dma_wait3A, %dma_wait3A_39] : memref<256x128xf32, #tpu.memory_space<vmem>> -> memref<128x128xf32, #tpu.memory_space<vmem>>
      %dma_wait3A_41 = arith.constant 0 : i32
      %dma_wait3A_42 = tpu.memref_slice %arg2[%add3A_12, %dma_wait3A_41] : memref<10112x128xf32, #tpu.memory_space<hbm>> -> memref<128x128xf32, #tpu.memory_space<hbm>>
      %dma_wait3A_43 = arith.constant 0 : i32
      %dma_wait3A_44 = arith.constant 0 : i32
      %dma_wait3A_45 = tpu.memref_slice %arg6[%dma_wait3A_43, %dma_wait3A_44] : memref<256x128xf32, #tpu.memory_space<vmem>> -> memref<128x128xf32, #tpu.memory_space<vmem>>
      %dma_wait3A_46 = arith.constant 0 : i32
      %dma_wait3A_47 = tpu.memref_slice %arg2[%add3A_12, %dma_wait3A_46] : memref<10112x128xf32, #tpu.memory_space<hbm>> -> memref<128x128xf32, #tpu.memory_space<hbm>>
      tpu.wait_dma2 semaphore(%run_scoped3A : memref<!tpu.dma_semaphore, #tpu.memory_space<semaphore_mem>>) src(%dma_wait3A_47 : memref<128x128xf32, #tpu.memory_space<hbm>>) dst(%dma_wait3A_45 : memref<128x128xf32, #tpu.memory_space<vmem>>)
      tpu.yield
    }) : () -> ()
    %add3A_13 = arith.constant 256 : i32
    %add3A_14 = arith.addi %mul3A_2, %add3A_13 : i32
    "tpu.region"() ({
      %run_scoped3A = tpu.sem_alloc : memref<!tpu.dma_semaphore, #tpu.memory_space<semaphore_mem>>
      %dma_start3A = arith.constant 0 : i32
      %dma_start3A_30 = arith.constant 0 : i32
      %dma_start3A_31 = tpu.memref_slice %arg6[%dma_start3A, %dma_start3A_30] : memref<256x128xf32, #tpu.memory_space<vmem>> -> memref<128x128xf32, #tpu.memory_space<vmem>>
      %dma_start3A_32 = arith.constant 0 : i32
      %dma_start3A_33 = tpu.memref_slice %arg7[%add3A_14, %dma_start3A_32] : memref<10112x128xf32, #tpu.memory_space<vmem_shared>> -> memref<128x128xf32, #tpu.memory_space<vmem_shared>>
      %dma_start3A_34 = arith.constant 0 : i32
      %dma_start3A_35 = tpu.memref_slice %arg7[%add3A_14, %dma_start3A_34] : memref<10112x128xf32, #tpu.memory_space<vmem_shared>> -> memref<128x128xf32, #tpu.memory_space<vmem_shared>>
      %dma_start3A_36 = arith.constant 0 : i32
      %dma_start3A_37 = arith.constant 0 : i32
      %dma_start3A_38 = tpu.memref_slice %arg6[%dma_start3A_36, %dma_start3A_37] : memref<256x128xf32, #tpu.memory_space<vmem>> -> memref<128x128xf32, #tpu.memory_space<vmem>>
      tpu.enqueue_dma source(%dma_start3A_38 : memref<128x128xf32, #tpu.memory_space<vmem>>) target(%dma_start3A_35 : memref<128x128xf32, #tpu.memory_space<vmem_shared>>) target_semaphore(%run_scoped3A : memref<!tpu.dma_semaphore, #tpu.memory_space<semaphore_mem>>)
      %dma_wait3A = arith.constant 0 : i32
      %dma_wait3A_39 = arith.constant 0 : i32
      %dma_wait3A_40 = tpu.memref_slice %arg6[%dma_wait3A, %dma_wait3A_39] : memref<256x128xf32, #tpu.memory_space<vmem>> -> memref<128x128xf32, #tpu.memory_space<vmem>>
      %dma_wait3A_41 = arith.constant 0 : i32
      %dma_wait3A_42 = tpu.memref_slice %arg7[%add3A_14, %dma_wait3A_41] : memref<10112x128xf32, #tpu.memory_space<vmem_shared>> -> memref<128x128xf32, #tpu.memory_space<vmem_shared>>
      %dma_wait3A_43 = arith.constant 0 : i32
      %dma_wait3A_44 = tpu.memref_slice %arg7[%add3A_14, %dma_wait3A_43] : memref<10112x128xf32, #tpu.memory_space<vmem_shared>> -> memref<128x128xf32, #tpu.memory_space<vmem_shared>>
      %dma_wait3A_45 = arith.constant 0 : i32
      %dma_wait3A_46 = arith.constant 0 : i32
      %dma_wait3A_47 = tpu.memref_slice %arg6[%dma_wait3A_45, %dma_wait3A_46] : memref<256x128xf32, #tpu.memory_space<vmem>> -> memref<128x128xf32, #tpu.memory_space<vmem>>
      tpu.wait_dma2 semaphore(%run_scoped3A : memref<!tpu.dma_semaphore, #tpu.memory_space<semaphore_mem>>) src(%dma_wait3A_47 : memref<128x128xf32, #tpu.memory_space<vmem>>) dst(%dma_wait3A_44 : memref<128x128xf32, #tpu.memory_space<vmem_shared>>)
      tpu.yield
    }) : () -> ()
    %add3A_15 = arith.constant 384 : i32
    %add3A_16 = arith.addi %mul3A_2, %add3A_15 : i32
    "tpu.region"() ({
      %run_scoped3A = tpu.sem_alloc : memref<!tpu.dma_semaphore, #tpu.memory_space<semaphore_mem>>
      %dma_start3A = arith.constant 0 : i32
      %dma_start3A_30 = arith.constant 0 : i32
      %dma_start3A_31 = tpu.memref_slice %arg6[%dma_start3A, %dma_start3A_30] : memref<256x128xf32, #tpu.memory_space<vmem>> -> memref<128x128xf32, #tpu.memory_space<vmem>>
      %dma_start3A_32 = arith.constant 0 : i32
      %dma_start3A_33 = tpu.memref_slice %arg2[%add3A_16, %dma_start3A_32] : memref<10112x128xf32, #tpu.memory_space<hbm>> -> memref<128x128xf32, #tpu.memory_space<hbm>>
      %dma_start3A_34 = arith.constant 0 : i32
      %dma_start3A_35 = arith.constant 0 : i32
      %dma_start3A_36 = tpu.memref_slice %arg6[%dma_start3A_34, %dma_start3A_35] : memref<256x128xf32, #tpu.memory_space<vmem>> -> memref<128x128xf32, #tpu.memory_space<vmem>>
      %dma_start3A_37 = arith.constant 0 : i32
      %dma_start3A_38 = tpu.memref_slice %arg2[%add3A_16, %dma_start3A_37] : memref<10112x128xf32, #tpu.memory_space<hbm>> -> memref<128x128xf32, #tpu.memory_space<hbm>>
      tpu.enqueue_dma source(%dma_start3A_38 : memref<128x128xf32, #tpu.memory_space<hbm>>) target(%dma_start3A_36 : memref<128x128xf32, #tpu.memory_space<vmem>>) target_semaphore(%run_scoped3A : memref<!tpu.dma_semaphore, #tpu.memory_space<semaphore_mem>>)
      %dma_wait3A = arith.constant 0 : i32
      %dma_wait3A_39 = arith.constant 0 : i32
      %dma_wait3A_40 = tpu.memref_slice %arg6[%dma_wait3A, %dma_wait3A_39] : memref<256x128xf32, #tpu.memory_space<vmem>> -> memref<128x128xf32, #tpu.memory_space<vmem>>
      %dma_wait3A_41 = arith.constant 0 : i32
      %dma_wait3A_42 = tpu.memref_slice %arg2[%add3A_16, %dma_wait3A_41] : memref<10112x128xf32, #tpu.memory_space<hbm>> -> memref<128x128xf32, #tpu.memory_space<hbm>>
      %dma_wait3A_43 = arith.constant 0 : i32
      %dma_wait3A_44 = arith.constant 0 : i32
      %dma_wait3A_45 = tpu.memref_slice %arg6[%dma_wait3A_43, %dma_wait3A_44] : memref<256x128xf32, #tpu.memory_space<vmem>> -> memref<128x128xf32, #tpu.memory_space<vmem>>
      %dma_wait3A_46 = arith.constant 0 : i32
      %dma_wait3A_47 = tpu.memref_slice %arg2[%add3A_16, %dma_wait3A_46] : memref<10112x128xf32, #tpu.memory_space<hbm>> -> memref<128x128xf32, #tpu.memory_space<hbm>>
      tpu.wait_dma2 semaphore(%run_scoped3A : memref<!tpu.dma_semaphore, #tpu.memory_space<semaphore_mem>>) src(%dma_wait3A_47 : memref<128x128xf32, #tpu.memory_space<hbm>>) dst(%dma_wait3A_45 : memref<128x128xf32, #tpu.memory_space<vmem>>)
      tpu.yield
    }) : () -> ()
    %add3A_17 = arith.constant 384 : i32
    %add3A_18 = arith.addi %mul3A_2, %add3A_17 : i32
    "tpu.region"() ({
      %run_scoped3A = tpu.sem_alloc : memref<!tpu.dma_semaphore, #tpu.memory_space<semaphore_mem>>
      %dma_start3A = arith.constant 0 : i32
      %dma_start3A_30 = arith.constant 0 : i32
      %dma_start3A_31 = tpu.memref_slice %arg6[%dma_start3A, %dma_start3A_30] : memref<256x128xf32, #tpu.memory_space<vmem>> -> memref<128x128xf32, #tpu.memory_space<vmem>>
      %dma_start3A_32 = arith.constant 0 : i32
      %dma_start3A_33 = tpu.memref_slice %arg7[%add3A_18, %dma_start3A_32] : memref<10112x128xf32, #tpu.memory_space<vmem_shared>> -> memref<128x128xf32, #tpu.memory_space<vmem_shared>>
      %dma_start3A_34 = arith.constant 0 : i32
      %dma_start3A_35 = tpu.memref_slice %arg7[%add3A_18, %dma_start3A_34] : memref<10112x128xf32, #tpu.memory_space<vmem_shared>> -> memref<128x128xf32, #tpu.memory_space<vmem_shared>>
      %dma_start3A_36 = arith.constant 0 : i32
      %dma_start3A_37 = arith.constant 0 : i32
      %dma_start3A_38 = tpu.memref_slice %arg6[%dma_start3A_36, %dma_start3A_37] : memref<256x128xf32, #tpu.memory_space<vmem>> -> memref<128x128xf32, #tpu.memory_space<vmem>>
      tpu.enqueue_dma source(%dma_start3A_38 : memref<128x128xf32, #tpu.memory_space<vmem>>) target(%dma_start3A_35 : memref<128x128xf32, #tpu.memory_space<vmem_shared>>) target_semaphore(%run_scoped3A : memref<!tpu.dma_semaphore, #tpu.memory_space<semaphore_mem>>)
      %dma_wait3A = arith.constant 0 : i32
      %dma_wait3A_39 = arith.constant 0 : i32
      %dma_wait3A_40 = tpu.memref_slice %arg6[%dma_wait3A, %dma_wait3A_39] : memref<256x128xf32, #tpu.memory_space<vmem>> -> memref<128x128xf32, #tpu.memory_space<vmem>>
      %dma_wait3A_41 = arith.constant 0 : i32
      %dma_wait3A_42 = tpu.memref_slice %arg7[%add3A_18, %dma_wait3A_41] : memref<10112x128xf32, #tpu.memory_space<vmem_shared>> -> memref<128x128xf32, #tpu.memory_space<vmem_shared>>
      %dma_wait3A_43 = arith.constant 0 : i32
      %dma_wait3A_44 = tpu.memref_slice %arg7[%add3A_18, %dma_wait3A_43] : memref<10112x128xf32, #tpu.memory_space<vmem_shared>> -> memref<128x128xf32, #tpu.memory_space<vmem_shared>>
      %dma_wait3A_45 = arith.constant 0 : i32
      %dma_wait3A_46 = arith.constant 0 : i32
      %dma_wait3A_47 = tpu.memref_slice %arg6[%dma_wait3A_45, %dma_wait3A_46] : memref<256x128xf32, #tpu.memory_space<vmem>> -> memref<128x128xf32, #tpu.memory_space<vmem>>
      tpu.wait_dma2 semaphore(%run_scoped3A : memref<!tpu.dma_semaphore, #tpu.memory_space<semaphore_mem>>) src(%dma_wait3A_47 : memref<128x128xf32, #tpu.memory_space<vmem>>) dst(%dma_wait3A_44 : memref<128x128xf32, #tpu.memory_space<vmem_shared>>)
      tpu.yield
    }) : () -> ()
    %add3A_19 = arith.constant 512 : i32
    %add3A_20 = arith.addi %mul3A_2, %add3A_19 : i32
    "tpu.region"() ({
      %run_scoped3A = tpu.sem_alloc : memref<!tpu.dma_semaphore, #tpu.memory_space<semaphore_mem>>
      %dma_start3A = arith.constant 0 : i32
      %dma_start3A_30 = arith.constant 0 : i32
      %dma_start3A_31 = tpu.memref_slice %arg6[%dma_start3A, %dma_start3A_30] : memref<256x128xf32, #tpu.memory_space<vmem>> -> memref<120x128xf32, #tpu.memory_space<vmem>>
      %dma_start3A_32 = arith.constant 0 : i32
      %dma_start3A_33 = tpu.memref_slice %arg2[%add3A_20, %dma_start3A_32] : memref<10112x128xf32, #tpu.memory_space<hbm>> -> memref<120x128xf32, #tpu.memory_space<hbm>>
      %dma_start3A_34 = arith.constant 0 : i32
      %dma_start3A_35 = arith.constant 0 : i32
      %dma_start3A_36 = tpu.memref_slice %arg6[%dma_start3A_34, %dma_start3A_35] : memref<256x128xf32, #tpu.memory_space<vmem>> -> memref<120x128xf32, #tpu.memory_space<vmem>>
      %dma_start3A_37 = arith.constant 0 : i32
      %dma_start3A_38 = tpu.memref_slice %arg2[%add3A_20, %dma_start3A_37] : memref<10112x128xf32, #tpu.memory_space<hbm>> -> memref<120x128xf32, #tpu.memory_space<hbm>>
      tpu.enqueue_dma source(%dma_start3A_38 : memref<120x128xf32, #tpu.memory_space<hbm>>) target(%dma_start3A_36 : memref<120x128xf32, #tpu.memory_space<vmem>>) target_semaphore(%run_scoped3A : memref<!tpu.dma_semaphore, #tpu.memory_space<semaphore_mem>>)
      %dma_wait3A = arith.constant 0 : i32
      %dma_wait3A_39 = arith.constant 0 : i32
      %dma_wait3A_40 = tpu.memref_slice %arg6[%dma_wait3A, %dma_wait3A_39] : memref<256x128xf32, #tpu.memory_space<vmem>> -> memref<120x128xf32, #tpu.memory_space<vmem>>
      %dma_wait3A_41 = arith.constant 0 : i32
      %dma_wait3A_42 = tpu.memref_slice %arg2[%add3A_20, %dma_wait3A_41] : memref<10112x128xf32, #tpu.memory_space<hbm>> -> memref<120x128xf32, #tpu.memory_space<hbm>>
      %dma_wait3A_43 = arith.constant 0 : i32
      %dma_wait3A_44 = arith.constant 0 : i32
      %dma_wait3A_45 = tpu.memref_slice %arg6[%dma_wait3A_43, %dma_wait3A_44] : memref<256x128xf32, #tpu.memory_space<vmem>> -> memref<120x128xf32, #tpu.memory_space<vmem>>
      %dma_wait3A_46 = arith.constant 0 : i32
      %dma_wait3A_47 = tpu.memref_slice %arg2[%add3A_20, %dma_wait3A_46] : memref<10112x128xf32, #tpu.memory_space<hbm>> -> memref<120x128xf32, #tpu.memory_space<hbm>>
      tpu.wait_dma2 semaphore(%run_scoped3A : memref<!tpu.dma_semaphore, #tpu.memory_space<semaphore_mem>>) src(%dma_wait3A_47 : memref<120x128xf32, #tpu.memory_space<hbm>>) dst(%dma_wait3A_45 : memref<120x128xf32, #tpu.memory_space<vmem>>)
      tpu.yield
    }) : () -> ()
    %add3A_21 = arith.constant 512 : i32
    %add3A_22 = arith.addi %mul3A_2, %add3A_21 : i32
    "tpu.region"() ({
      %run_scoped3A = tpu.sem_alloc : memref<!tpu.dma_semaphore, #tpu.memory_space<semaphore_mem>>
      %dma_start3A = arith.constant 0 : i32
      %dma_start3A_30 = arith.constant 0 : i32
      %dma_start3A_31 = tpu.memref_slice %arg6[%dma_start3A, %dma_start3A_30] : memref<256x128xf32, #tpu.memory_space<vmem>> -> memref<120x128xf32, #tpu.memory_space<vmem>>
      %dma_start3A_32 = arith.constant 0 : i32
      %dma_start3A_33 = tpu.memref_slice %arg7[%add3A_22, %dma_start3A_32] : memref<10112x128xf32, #tpu.memory_space<vmem_shared>> -> memref<120x128xf32, #tpu.memory_space<vmem_shared>>
      %dma_start3A_34 = arith.constant 0 : i32
      %dma_start3A_35 = tpu.memref_slice %arg7[%add3A_22, %dma_start3A_34] : memref<10112x128xf32, #tpu.memory_space<vmem_shared>> -> memref<120x128xf32, #tpu.memory_space<vmem_shared>>
      %dma_start3A_36 = arith.constant 0 : i32
      %dma_start3A_37 = arith.constant 0 : i32
      %dma_start3A_38 = tpu.memref_slice %arg6[%dma_start3A_36, %dma_start3A_37] : memref<256x128xf32, #tpu.memory_space<vmem>> -> memref<120x128xf32, #tpu.memory_space<vmem>>
      tpu.enqueue_dma source(%dma_start3A_38 : memref<120x128xf32, #tpu.memory_space<vmem>>) target(%dma_start3A_35 : memref<120x128xf32, #tpu.memory_space<vmem_shared>>) target_semaphore(%run_scoped3A : memref<!tpu.dma_semaphore, #tpu.memory_space<semaphore_mem>>)
      %dma_wait3A = arith.constant 0 : i32
      %dma_wait3A_39 = arith.constant 0 : i32
      %dma_wait3A_40 = tpu.memref_slice %arg6[%dma_wait3A, %dma_wait3A_39] : memref<256x128xf32, #tpu.memory_space<vmem>> -> memref<120x128xf32, #tpu.memory_space<vmem>>
      %dma_wait3A_41 = arith.constant 0 : i32
      %dma_wait3A_42 = tpu.memref_slice %arg7[%add3A_22, %dma_wait3A_41] : memref<10112x128xf32, #tpu.memory_space<vmem_shared>> -> memref<120x128xf32, #tpu.memory_space<vmem_shared>>
      %dma_wait3A_43 = arith.constant 0 : i32
      %dma_wait3A_44 = tpu.memref_slice %arg7[%add3A_22, %dma_wait3A_43] : memref<10112x128xf32, #tpu.memory_space<vmem_shared>> -> memref<120x128xf32, #tpu.memory_space<vmem_shared>>
      %dma_wait3A_45 = arith.constant 0 : i32
      %dma_wait3A_46 = arith.constant 0 : i32
      %dma_wait3A_47 = tpu.memref_slice %arg6[%dma_wait3A_45, %dma_wait3A_46] : memref<256x128xf32, #tpu.memory_space<vmem>> -> memref<120x128xf32, #tpu.memory_space<vmem>>
      tpu.wait_dma2 semaphore(%run_scoped3A : memref<!tpu.dma_semaphore, #tpu.memory_space<semaphore_mem>>) src(%dma_wait3A_47 : memref<120x128xf32, #tpu.memory_space<vmem>>) dst(%dma_wait3A_44 : memref<120x128xf32, #tpu.memory_space<vmem_shared>>)
      tpu.yield
    }) : () -> ()
    %barrier3A = arith.constant 0 : index
    tpu.barrier barrier_id(%barrier3A)
    %mul3A_23 = arith.constant 10240 : i32
    %mul3A_24 = arith.muli %add3A, %mul3A_23 : i32
    "tpu.region"() ({
      %run_scoped3A = tpu.sem_alloc : memref<!tpu.dma_semaphore, #tpu.memory_space<semaphore_mem>>
      %dma_start3A = arith.constant 0 : i32
      %dma_start3A_30 = arith.constant 0 : i32
      %dma_start3A_31 = tpu.memref_slice %arg3[%add3A, %dma_start3A, %dma_start3A_30] : memref<32x80x128xi32, #tpu.memory_space<hbm>> -> memref<1x80x128xi32, #tpu.memory_space<hbm>>
      %dma_start3A_32 = tpu.memref_squeeze %dma_start3A_31 : memref<1x80x128xi32, #tpu.memory_space<hbm>> -> memref<80x128xi32, #tpu.memory_space<hbm>>
      %dma_start3A_33 = arith.constant 0 : i32
      %dma_start3A_34 = arith.constant 0 : i32
      %dma_start3A_35 = tpu.memref_slice %arg3[%add3A, %dma_start3A_33, %dma_start3A_34] : memref<32x80x128xi32, #tpu.memory_space<hbm>> -> memref<1x80x128xi32, #tpu.memory_space<hbm>>
      %dma_start3A_36 = tpu.memref_squeeze %dma_start3A_35 : memref<1x80x128xi32, #tpu.memory_space<hbm>> -> memref<80x128xi32, #tpu.memory_space<hbm>>
      tpu.enqueue_dma source(%dma_start3A_36 : memref<80x128xi32, #tpu.memory_space<hbm>>) target(%arg5 : memref<80x128xi32, #tpu.memory_space<vmem>>) target_semaphore(%run_scoped3A : memref<!tpu.dma_semaphore, #tpu.memory_space<semaphore_mem>>)
      %dma_wait3A = arith.constant 0 : i32
      %dma_wait3A_37 = arith.constant 0 : i32
      %dma_wait3A_38 = tpu.memref_slice %arg3[%add3A, %dma_wait3A, %dma_wait3A_37] : memref<32x80x128xi32, #tpu.memory_space<hbm>> -> memref<1x80x128xi32, #tpu.memory_space<hbm>>
      %dma_wait3A_39 = tpu.memref_squeeze %dma_wait3A_38 : memref<1x80x128xi32, #tpu.memory_space<hbm>> -> memref<80x128xi32, #tpu.memory_space<hbm>>
      %dma_wait3A_40 = arith.constant 0 : i32
      %dma_wait3A_41 = arith.constant 0 : i32
      %dma_wait3A_42 = tpu.memref_slice %arg3[%add3A, %dma_wait3A_40, %dma_wait3A_41] : memref<32x80x128xi32, #tpu.memory_space<hbm>> -> memref<1x80x128xi32, #tpu.memory_space<hbm>>
      %dma_wait3A_43 = tpu.memref_squeeze %dma_wait3A_42 : memref<1x80x128xi32, #tpu.memory_space<hbm>> -> memref<80x128xi32, #tpu.memory_space<hbm>>
      tpu.wait_dma2 semaphore(%run_scoped3A : memref<!tpu.dma_semaphore, #tpu.memory_space<semaphore_mem>>) src(%dma_wait3A_43 : memref<80x128xi32, #tpu.memory_space<hbm>>) dst(%arg5 : memref<80x128xi32, #tpu.memory_space<vmem>>)
      tpu.yield
    }) : () -> ()
    %scan3A = arith.constant 0 : i32
    %scan3A_25 = arith.constant 0 : i32
    %scan3A_26 = arith.constant 40 : i32
    %scan3A_27 = arith.addi %scan3A_25, %scan3A_26 : i32
    %scan3A_28 = arith.constant 1 : i32
    scf.for %scan3A_30 = %scan3A_25 to %scan3A_27 step %scan3A_28  : i32 {
      %mul3A_31 = arith.constant 2 : i32
      %mul3A_32 = arith.muli %scan3A_30, %mul3A_31 : i32
      %add3A_33 = arith.constant 0 : i32
      %add3A_34 = arith.addi %mul3A_32, %add3A_33 : i32
      %dma_start3A = arith.constant 0 : i32
      %dma_start3A_35 = arith.constant 0 : i32
      %dma_start3A_36 = tpu.memref_slice %arg6[%dma_start3A, %dma_start3A_35] : memref<256x128xf32, #tpu.memory_space<vmem>> -> memref<32x128xf32, #tpu.memory_space<vmem>>
      %dma_start3A_37 = arith.constant 0 : i32
      %dma_start3A_38 = tpu.memref_slice %arg5[%add3A_34, %dma_start3A_37] : memref<80x128xi32, #tpu.memory_space<vmem>> -> memref<1x32xi32, #tpu.memory_space<vmem>>
      %dma_start3A_39 = tpu.memref_squeeze %dma_start3A_38 : memref<1x32xi32, #tpu.memory_space<vmem>> -> memref<32xi32, #tpu.memory_space<vmem>>
      %dma_start3A_40 = arith.constant 0 : i32
      %dma_start3A_41 = arith.constant 0 : i32
      %dma_start3A_42 = tpu.memref_slice %arg7[%dma_start3A_40, %dma_start3A_41] : memref<10112x128xf32, #tpu.memory_space<vmem_shared>> -> memref<10112x128xf32, #tpu.memory_space<vmem_shared>>
      tpu.enqueue_indirect_dma source(%dma_start3A_42 : memref<10112x128xf32, #tpu.memory_space<vmem_shared>>) target(%dma_start3A_36 : memref<32x128xf32, #tpu.memory_space<vmem>>) offsets(%dma_start3A_39 : memref<32xi32, #tpu.memory_space<vmem>>) semaphore(%arg8 : memref<!tpu.dma_semaphore, #tpu.memory_space<semaphore_mem>>)
      %add3A_43 = arith.constant 0 : i32
      %add3A_44 = arith.addi %mul3A_32, %add3A_43 : i32
      %dma_start3A_45 = arith.constant 32 : i32
      %dma_start3A_46 = arith.constant 0 : i32
      %dma_start3A_47 = tpu.memref_slice %arg6[%dma_start3A_45, %dma_start3A_46] : memref<256x128xf32, #tpu.memory_space<vmem>> -> memref<32x128xf32, #tpu.memory_space<vmem>>
      %dma_start3A_48 = arith.constant 32 : i32
      %dma_start3A_49 = tpu.memref_slice %arg5[%add3A_44, %dma_start3A_48] : memref<80x128xi32, #tpu.memory_space<vmem>> -> memref<1x32xi32, #tpu.memory_space<vmem>>
      %dma_start3A_50 = tpu.memref_squeeze %dma_start3A_49 : memref<1x32xi32, #tpu.memory_space<vmem>> -> memref<32xi32, #tpu.memory_space<vmem>>
      %dma_start3A_51 = arith.constant 0 : i32
      %dma_start3A_52 = arith.constant 0 : i32
      %dma_start3A_53 = tpu.memref_slice %arg7[%dma_start3A_51, %dma_start3A_52] : memref<10112x128xf32, #tpu.memory_space<vmem_shared>> -> memref<10112x128xf32, #tpu.memory_space<vmem_shared>>
      tpu.enqueue_indirect_dma source(%dma_start3A_53 : memref<10112x128xf32, #tpu.memory_space<vmem_shared>>) target(%dma_start3A_47 : memref<32x128xf32, #tpu.memory_space<vmem>>) offsets(%dma_start3A_50 : memref<32xi32, #tpu.memory_space<vmem>>) semaphore(%arg8 : memref<!tpu.dma_semaphore, #tpu.memory_space<semaphore_mem>>)
      %add3A_54 = arith.constant 0 : i32
      %add3A_55 = arith.addi %mul3A_32, %add3A_54 : i32
      %dma_start3A_56 = arith.constant 64 : i32
      %dma_start3A_57 = arith.constant 0 : i32
      %dma_start3A_58 = tpu.memref_slice %arg6[%dma_start3A_56, %dma_start3A_57] : memref<256x128xf32, #tpu.memory_space<vmem>> -> memref<32x128xf32, #tpu.memory_space<vmem>>
      %dma_start3A_59 = arith.constant 64 : i32
      %dma_start3A_60 = tpu.memref_slice %arg5[%add3A_55, %dma_start3A_59] : memref<80x128xi32, #tpu.memory_space<vmem>> -> memref<1x32xi32, #tpu.memory_space<vmem>>
      %dma_start3A_61 = tpu.memref_squeeze %dma_start3A_60 : memref<1x32xi32, #tpu.memory_space<vmem>> -> memref<32xi32, #tpu.memory_space<vmem>>
      %dma_start3A_62 = arith.constant 0 : i32
      %dma_start3A_63 = arith.constant 0 : i32
      %dma_start3A_64 = tpu.memref_slice %arg7[%dma_start3A_62, %dma_start3A_63] : memref<10112x128xf32, #tpu.memory_space<vmem_shared>> -> memref<10112x128xf32, #tpu.memory_space<vmem_shared>>
      tpu.enqueue_indirect_dma source(%dma_start3A_64 : memref<10112x128xf32, #tpu.memory_space<vmem_shared>>) target(%dma_start3A_58 : memref<32x128xf32, #tpu.memory_space<vmem>>) offsets(%dma_start3A_61 : memref<32xi32, #tpu.memory_space<vmem>>) semaphore(%arg8 : memref<!tpu.dma_semaphore, #tpu.memory_space<semaphore_mem>>)
      %add3A_65 = arith.constant 0 : i32
      %add3A_66 = arith.addi %mul3A_32, %add3A_65 : i32
      %dma_start3A_67 = arith.constant 96 : i32
      %dma_start3A_68 = arith.constant 0 : i32
      %dma_start3A_69 = tpu.memref_slice %arg6[%dma_start3A_67, %dma_start3A_68] : memref<256x128xf32, #tpu.memory_space<vmem>> -> memref<32x128xf32, #tpu.memory_space<vmem>>
      %dma_start3A_70 = arith.constant 96 : i32
      %dma_start3A_71 = tpu.memref_slice %arg5[%add3A_66, %dma_start3A_70] : memref<80x128xi32, #tpu.memory_space<vmem>> -> memref<1x32xi32, #tpu.memory_space<vmem>>
      %dma_start3A_72 = tpu.memref_squeeze %dma_start3A_71 : memref<1x32xi32, #tpu.memory_space<vmem>> -> memref<32xi32, #tpu.memory_space<vmem>>
      %dma_start3A_73 = arith.constant 0 : i32
      %dma_start3A_74 = arith.constant 0 : i32
      %dma_start3A_75 = tpu.memref_slice %arg7[%dma_start3A_73, %dma_start3A_74] : memref<10112x128xf32, #tpu.memory_space<vmem_shared>> -> memref<10112x128xf32, #tpu.memory_space<vmem_shared>>
      tpu.enqueue_indirect_dma source(%dma_start3A_75 : memref<10112x128xf32, #tpu.memory_space<vmem_shared>>) target(%dma_start3A_69 : memref<32x128xf32, #tpu.memory_space<vmem>>) offsets(%dma_start3A_72 : memref<32xi32, #tpu.memory_space<vmem>>) semaphore(%arg8 : memref<!tpu.dma_semaphore, #tpu.memory_space<semaphore_mem>>)
      %add3A_76 = arith.constant 1 : i32
      %add3A_77 = arith.addi %mul3A_32, %add3A_76 : i32
      %dma_start3A_78 = arith.constant 128 : i32
      %dma_start3A_79 = arith.constant 0 : i32
      %dma_start3A_80 = tpu.memref_slice %arg6[%dma_start3A_78, %dma_start3A_79] : memref<256x128xf32, #tpu.memory_space<vmem>> -> memref<32x128xf32, #tpu.memory_space<vmem>>
      %dma_start3A_81 = arith.constant 0 : i32
      %dma_start3A_82 = tpu.memref_slice %arg5[%add3A_77, %dma_start3A_81] : memref<80x128xi32, #tpu.memory_space<vmem>> -> memref<1x32xi32, #tpu.memory_space<vmem>>
      %dma_start3A_83 = tpu.memref_squeeze %dma_start3A_82 : memref<1x32xi32, #tpu.memory_space<vmem>> -> memref<32xi32, #tpu.memory_space<vmem>>
      %dma_start3A_84 = arith.constant 0 : i32
      %dma_start3A_85 = arith.constant 0 : i32
      %dma_start3A_86 = tpu.memref_slice %arg7[%dma_start3A_84, %dma_start3A_85] : memref<10112x128xf32, #tpu.memory_space<vmem_shared>> -> memref<10112x128xf32, #tpu.memory_space<vmem_shared>>
      tpu.enqueue_indirect_dma source(%dma_start3A_86 : memref<10112x128xf32, #tpu.memory_space<vmem_shared>>) target(%dma_start3A_80 : memref<32x128xf32, #tpu.memory_space<vmem>>) offsets(%dma_start3A_83 : memref<32xi32, #tpu.memory_space<vmem>>) semaphore(%arg8 : memref<!tpu.dma_semaphore, #tpu.memory_space<semaphore_mem>>)
      %add3A_87 = arith.constant 1 : i32
      %add3A_88 = arith.addi %mul3A_32, %add3A_87 : i32
      %dma_start3A_89 = arith.constant 160 : i32
      %dma_start3A_90 = arith.constant 0 : i32
      %dma_start3A_91 = tpu.memref_slice %arg6[%dma_start3A_89, %dma_start3A_90] : memref<256x128xf32, #tpu.memory_space<vmem>> -> memref<32x128xf32, #tpu.memory_space<vmem>>
      %dma_start3A_92 = arith.constant 32 : i32
      %dma_start3A_93 = tpu.memref_slice %arg5[%add3A_88, %dma_start3A_92] : memref<80x128xi32, #tpu.memory_space<vmem>> -> memref<1x32xi32, #tpu.memory_space<vmem>>
      %dma_start3A_94 = tpu.memref_squeeze %dma_start3A_93 : memref<1x32xi32, #tpu.memory_space<vmem>> -> memref<32xi32, #tpu.memory_space<vmem>>
      %dma_start3A_95 = arith.constant 0 : i32
      %dma_start3A_96 = arith.constant 0 : i32
      %dma_start3A_97 = tpu.memref_slice %arg7[%dma_start3A_95, %dma_start3A_96] : memref<10112x128xf32, #tpu.memory_space<vmem_shared>> -> memref<10112x128xf32, #tpu.memory_space<vmem_shared>>
      tpu.enqueue_indirect_dma source(%dma_start3A_97 : memref<10112x128xf32, #tpu.memory_space<vmem_shared>>) target(%dma_start3A_91 : memref<32x128xf32, #tpu.memory_space<vmem>>) offsets(%dma_start3A_94 : memref<32xi32, #tpu.memory_space<vmem>>) semaphore(%arg8 : memref<!tpu.dma_semaphore, #tpu.memory_space<semaphore_mem>>)
      %add3A_98 = arith.constant 1 : i32
      %add3A_99 = arith.addi %mul3A_32, %add3A_98 : i32
      %dma_start3A_100 = arith.constant 192 : i32
      %dma_start3A_101 = arith.constant 0 : i32
      %dma_start3A_102 = tpu.memref_slice %arg6[%dma_start3A_100, %dma_start3A_101] : memref<256x128xf32, #tpu.memory_space<vmem>> -> memref<32x128xf32, #tpu.memory_space<vmem>>
      %dma_start3A_103 = arith.constant 64 : i32
      %dma_start3A_104 = tpu.memref_slice %arg5[%add3A_99, %dma_start3A_103] : memref<80x128xi32, #tpu.memory_space<vmem>> -> memref<1x32xi32, #tpu.memory_space<vmem>>
      %dma_start3A_105 = tpu.memref_squeeze %dma_start3A_104 : memref<1x32xi32, #tpu.memory_space<vmem>> -> memref<32xi32, #tpu.memory_space<vmem>>
      %dma_start3A_106 = arith.constant 0 : i32
      %dma_start3A_107 = arith.constant 0 : i32
      %dma_start3A_108 = tpu.memref_slice %arg7[%dma_start3A_106, %dma_start3A_107] : memref<10112x128xf32, #tpu.memory_space<vmem_shared>> -> memref<10112x128xf32, #tpu.memory_space<vmem_shared>>
      tpu.enqueue_indirect_dma source(%dma_start3A_108 : memref<10112x128xf32, #tpu.memory_space<vmem_shared>>) target(%dma_start3A_102 : memref<32x128xf32, #tpu.memory_space<vmem>>) offsets(%dma_start3A_105 : memref<32xi32, #tpu.memory_space<vmem>>) semaphore(%arg8 : memref<!tpu.dma_semaphore, #tpu.memory_space<semaphore_mem>>)
      %add3A_109 = arith.constant 1 : i32
      %add3A_110 = arith.addi %mul3A_32, %add3A_109 : i32
      %dma_start3A_111 = arith.constant 224 : i32
      %dma_start3A_112 = arith.constant 0 : i32
      %dma_start3A_113 = tpu.memref_slice %arg6[%dma_start3A_111, %dma_start3A_112] : memref<256x128xf32, #tpu.memory_space<vmem>> -> memref<32x128xf32, #tpu.memory_space<vmem>>
      %dma_start3A_114 = arith.constant 96 : i32
      %dma_start3A_115 = tpu.memref_slice %arg5[%add3A_110, %dma_start3A_114] : memref<80x128xi32, #tpu.memory_space<vmem>> -> memref<1x32xi32, #tpu.memory_space<vmem>>
      %dma_start3A_116 = tpu.memref_squeeze %dma_start3A_115 : memref<1x32xi32, #tpu.memory_space<vmem>> -> memref<32xi32, #tpu.memory_space<vmem>>
      %dma_start3A_117 = arith.constant 0 : i32
      %dma_start3A_118 = arith.constant 0 : i32
      %dma_start3A_119 = tpu.memref_slice %arg7[%dma_start3A_117, %dma_start3A_118] : memref<10112x128xf32, #tpu.memory_space<vmem_shared>> -> memref<10112x128xf32, #tpu.memory_space<vmem_shared>>
      tpu.enqueue_indirect_dma source(%dma_start3A_119 : memref<10112x128xf32, #tpu.memory_space<vmem_shared>>) target(%dma_start3A_113 : memref<32x128xf32, #tpu.memory_space<vmem>>) offsets(%dma_start3A_116 : memref<32xi32, #tpu.memory_space<vmem>>) semaphore(%arg8 : memref<!tpu.dma_semaphore, #tpu.memory_space<semaphore_mem>>)
      %dma_wait3A = arith.constant 0 : i32
      %dma_wait3A_120 = arith.constant 0 : i32
      %dma_wait3A_121 = tpu.memref_slice %arg6[%dma_wait3A, %dma_wait3A_120] : memref<256x128xf32, #tpu.memory_space<vmem>> -> memref<32x128xf32, #tpu.memory_space<vmem>>
      %dma_wait3A_122 = arith.constant 0 : i32
      %dma_wait3A_123 = tpu.memref_slice %arg5[%add3A_34, %dma_wait3A_122] : memref<80x128xi32, #tpu.memory_space<vmem>> -> memref<1x32xi32, #tpu.memory_space<vmem>>
      %dma_wait3A_124 = tpu.memref_squeeze %dma_wait3A_123 : memref<1x32xi32, #tpu.memory_space<vmem>> -> memref<32xi32, #tpu.memory_space<vmem>>
      %dma_wait3A_125 = arith.constant 0 : i32
      %dma_wait3A_126 = arith.constant 0 : i32
      %dma_wait3A_127 = tpu.memref_slice %arg7[%dma_wait3A_125, %dma_wait3A_126] : memref<10112x128xf32, #tpu.memory_space<vmem_shared>> -> memref<10112x128xf32, #tpu.memory_space<vmem_shared>>
      tpu.wait_indirect_dma semaphore(%arg8 : memref<!tpu.dma_semaphore, #tpu.memory_space<semaphore_mem>>) src(%dma_wait3A_127 : memref<10112x128xf32, #tpu.memory_space<vmem_shared>>) dst(%dma_wait3A_121 : memref<32x128xf32, #tpu.memory_space<vmem>>)
      %dma_wait3A_128 = arith.constant 32 : i32
      %dma_wait3A_129 = arith.constant 0 : i32
      %dma_wait3A_130 = tpu.memref_slice %arg6[%dma_wait3A_128, %dma_wait3A_129] : memref<256x128xf32, #tpu.memory_space<vmem>> -> memref<32x128xf32, #tpu.memory_space<vmem>>
      %dma_wait3A_131 = arith.constant 32 : i32
      %dma_wait3A_132 = tpu.memref_slice %arg5[%add3A_44, %dma_wait3A_131] : memref<80x128xi32, #tpu.memory_space<vmem>> -> memref<1x32xi32, #tpu.memory_space<vmem>>
      %dma_wait3A_133 = tpu.memref_squeeze %dma_wait3A_132 : memref<1x32xi32, #tpu.memory_space<vmem>> -> memref<32xi32, #tpu.memory_space<vmem>>
      %dma_wait3A_134 = arith.constant 0 : i32
      %dma_wait3A_135 = arith.constant 0 : i32
      %dma_wait3A_136 = tpu.memref_slice %arg7[%dma_wait3A_134, %dma_wait3A_135] : memref<10112x128xf32, #tpu.memory_space<vmem_shared>> -> memref<10112x128xf32, #tpu.memory_space<vmem_shared>>
      tpu.wait_indirect_dma semaphore(%arg8 : memref<!tpu.dma_semaphore, #tpu.memory_space<semaphore_mem>>) src(%dma_wait3A_136 : memref<10112x128xf32, #tpu.memory_space<vmem_shared>>) dst(%dma_wait3A_130 : memref<32x128xf32, #tpu.memory_space<vmem>>)
      %dma_wait3A_137 = arith.constant 64 : i32
      %dma_wait3A_138 = arith.constant 0 : i32
      %dma_wait3A_139 = tpu.memref_slice %arg6[%dma_wait3A_137, %dma_wait3A_138] : memref<256x128xf32, #tpu.memory_space<vmem>> -> memref<32x128xf32, #tpu.memory_space<vmem>>
      %dma_wait3A_140 = arith.constant 64 : i32
      %dma_wait3A_141 = tpu.memref_slice %arg5[%add3A_55, %dma_wait3A_140] : memref<80x128xi32, #tpu.memory_space<vmem>> -> memref<1x32xi32, #tpu.memory_space<vmem>>
      %dma_wait3A_142 = tpu.memref_squeeze %dma_wait3A_141 : memref<1x32xi32, #tpu.memory_space<vmem>> -> memref<32xi32, #tpu.memory_space<vmem>>
      %dma_wait3A_143 = arith.constant 0 : i32
      %dma_wait3A_144 = arith.constant 0 : i32
      %dma_wait3A_145 = tpu.memref_slice %arg7[%dma_wait3A_143, %dma_wait3A_144] : memref<10112x128xf32, #tpu.memory_space<vmem_shared>> -> memref<10112x128xf32, #tpu.memory_space<vmem_shared>>
      tpu.wait_indirect_dma semaphore(%arg8 : memref<!tpu.dma_semaphore, #tpu.memory_space<semaphore_mem>>) src(%dma_wait3A_145 : memref<10112x128xf32, #tpu.memory_space<vmem_shared>>) dst(%dma_wait3A_139 : memref<32x128xf32, #tpu.memory_space<vmem>>)
      %dma_wait3A_146 = arith.constant 96 : i32
      %dma_wait3A_147 = arith.constant 0 : i32
      %dma_wait3A_148 = tpu.memref_slice %arg6[%dma_wait3A_146, %dma_wait3A_147] : memref<256x128xf32, #tpu.memory_space<vmem>> -> memref<32x128xf32, #tpu.memory_space<vmem>>
      %dma_wait3A_149 = arith.constant 96 : i32
      %dma_wait3A_150 = tpu.memref_slice %arg5[%add3A_66, %dma_wait3A_149] : memref<80x128xi32, #tpu.memory_space<vmem>> -> memref<1x32xi32, #tpu.memory_space<vmem>>
      %dma_wait3A_151 = tpu.memref_squeeze %dma_wait3A_150 : memref<1x32xi32, #tpu.memory_space<vmem>> -> memref<32xi32, #tpu.memory_space<vmem>>
      %dma_wait3A_152 = arith.constant 0 : i32
      %dma_wait3A_153 = arith.constant 0 : i32
      %dma_wait3A_154 = tpu.memref_slice %arg7[%dma_wait3A_152, %dma_wait3A_153] : memref<10112x128xf32, #tpu.memory_space<vmem_shared>> -> memref<10112x128xf32, #tpu.memory_space<vmem_shared>>
      tpu.wait_indirect_dma semaphore(%arg8 : memref<!tpu.dma_semaphore, #tpu.memory_space<semaphore_mem>>) src(%dma_wait3A_154 : memref<10112x128xf32, #tpu.memory_space<vmem_shared>>) dst(%dma_wait3A_148 : memref<32x128xf32, #tpu.memory_space<vmem>>)
      %dma_wait3A_155 = arith.constant 128 : i32
      %dma_wait3A_156 = arith.constant 0 : i32
      %dma_wait3A_157 = tpu.memref_slice %arg6[%dma_wait3A_155, %dma_wait3A_156] : memref<256x128xf32, #tpu.memory_space<vmem>> -> memref<32x128xf32, #tpu.memory_space<vmem>>
      %dma_wait3A_158 = arith.constant 0 : i32
      %dma_wait3A_159 = tpu.memref_slice %arg5[%add3A_77, %dma_wait3A_158] : memref<80x128xi32, #tpu.memory_space<vmem>> -> memref<1x32xi32, #tpu.memory_space<vmem>>
      %dma_wait3A_160 = tpu.memref_squeeze %dma_wait3A_159 : memref<1x32xi32, #tpu.memory_space<vmem>> -> memref<32xi32, #tpu.memory_space<vmem>>
      %dma_wait3A_161 = arith.constant 0 : i32
      %dma_wait3A_162 = arith.constant 0 : i32
      %dma_wait3A_163 = tpu.memref_slice %arg7[%dma_wait3A_161, %dma_wait3A_162] : memref<10112x128xf32, #tpu.memory_space<vmem_shared>> -> memref<10112x128xf32, #tpu.memory_space<vmem_shared>>
      tpu.wait_indirect_dma semaphore(%arg8 : memref<!tpu.dma_semaphore, #tpu.memory_space<semaphore_mem>>) src(%dma_wait3A_163 : memref<10112x128xf32, #tpu.memory_space<vmem_shared>>) dst(%dma_wait3A_157 : memref<32x128xf32, #tpu.memory_space<vmem>>)
      %dma_wait3A_164 = arith.constant 160 : i32
      %dma_wait3A_165 = arith.constant 0 : i32
      %dma_wait3A_166 = tpu.memref_slice %arg6[%dma_wait3A_164, %dma_wait3A_165] : memref<256x128xf32, #tpu.memory_space<vmem>> -> memref<32x128xf32, #tpu.memory_space<vmem>>
      %dma_wait3A_167 = arith.constant 32 : i32
      %dma_wait3A_168 = tpu.memref_slice %arg5[%add3A_88, %dma_wait3A_167] : memref<80x128xi32, #tpu.memory_space<vmem>> -> memref<1x32xi32, #tpu.memory_space<vmem>>
      %dma_wait3A_169 = tpu.memref_squeeze %dma_wait3A_168 : memref<1x32xi32, #tpu.memory_space<vmem>> -> memref<32xi32, #tpu.memory_space<vmem>>
      %dma_wait3A_170 = arith.constant 0 : i32
      %dma_wait3A_171 = arith.constant 0 : i32
      %dma_wait3A_172 = tpu.memref_slice %arg7[%dma_wait3A_170, %dma_wait3A_171] : memref<10112x128xf32, #tpu.memory_space<vmem_shared>> -> memref<10112x128xf32, #tpu.memory_space<vmem_shared>>
      tpu.wait_indirect_dma semaphore(%arg8 : memref<!tpu.dma_semaphore, #tpu.memory_space<semaphore_mem>>) src(%dma_wait3A_172 : memref<10112x128xf32, #tpu.memory_space<vmem_shared>>) dst(%dma_wait3A_166 : memref<32x128xf32, #tpu.memory_space<vmem>>)
      %dma_wait3A_173 = arith.constant 192 : i32
      %dma_wait3A_174 = arith.constant 0 : i32
      %dma_wait3A_175 = tpu.memref_slice %arg6[%dma_wait3A_173, %dma_wait3A_174] : memref<256x128xf32, #tpu.memory_space<vmem>> -> memref<32x128xf32, #tpu.memory_space<vmem>>
      %dma_wait3A_176 = arith.constant 64 : i32
      %dma_wait3A_177 = tpu.memref_slice %arg5[%add3A_99, %dma_wait3A_176] : memref<80x128xi32, #tpu.memory_space<vmem>> -> memref<1x32xi32, #tpu.memory_space<vmem>>
      %dma_wait3A_178 = tpu.memref_squeeze %dma_wait3A_177 : memref<1x32xi32, #tpu.memory_space<vmem>> -> memref<32xi32, #tpu.memory_space<vmem>>
      %dma_wait3A_179 = arith.constant 0 : i32
      %dma_wait3A_180 = arith.constant 0 : i32
      %dma_wait3A_181 = tpu.memref_slice %arg7[%dma_wait3A_179, %dma_wait3A_180] : memref<10112x128xf32, #tpu.memory_space<vmem_shared>> -> memref<10112x128xf32, #tpu.memory_space<vmem_shared>>
      tpu.wait_indirect_dma semaphore(%arg8 : memref<!tpu.dma_semaphore, #tpu.memory_space<semaphore_mem>>) src(%dma_wait3A_181 : memref<10112x128xf32, #tpu.memory_space<vmem_shared>>) dst(%dma_wait3A_175 : memref<32x128xf32, #tpu.memory_space<vmem>>)
      %dma_wait3A_182 = arith.constant 224 : i32
      %dma_wait3A_183 = arith.constant 0 : i32
      %dma_wait3A_184 = tpu.memref_slice %arg6[%dma_wait3A_182, %dma_wait3A_183] : memref<256x128xf32, #tpu.memory_space<vmem>> -> memref<32x128xf32, #tpu.memory_space<vmem>>
      %dma_wait3A_185 = arith.constant 96 : i32
      %dma_wait3A_186 = tpu.memref_slice %arg5[%add3A_110, %dma_wait3A_185] : memref<80x128xi32, #tpu.memory_space<vmem>> -> memref<1x32xi32, #tpu.memory_space<vmem>>
      %dma_wait3A_187 = tpu.memref_squeeze %dma_wait3A_186 : memref<1x32xi32, #tpu.memory_space<vmem>> -> memref<32xi32, #tpu.memory_space<vmem>>
      %dma_wait3A_188 = arith.constant 0 : i32
      %dma_wait3A_189 = arith.constant 0 : i32
      %dma_wait3A_190 = tpu.memref_slice %arg7[%dma_wait3A_188, %dma_wait3A_189] : memref<10112x128xf32, #tpu.memory_space<vmem_shared>> -> memref<10112x128xf32, #tpu.memory_space<vmem_shared>>
      tpu.wait_indirect_dma semaphore(%arg8 : memref<!tpu.dma_semaphore, #tpu.memory_space<semaphore_mem>>) src(%dma_wait3A_190 : memref<10112x128xf32, #tpu.memory_space<vmem_shared>>) dst(%dma_wait3A_184 : memref<32x128xf32, #tpu.memory_space<vmem>>)
      %mul3A_191 = arith.constant 128 : i32
      %mul3A_192 = arith.muli %mul3A_32, %mul3A_191 : i32
      %add3A_193 = arith.addi %mul3A_24, %mul3A_192 : i32
      %dma_start3A_194 = arith.constant 0 : i32
      %dma_start3A_195 = tpu.memref_slice %arg4[%add3A_193, %dma_start3A_194] : memref<327680x128xf32, #tpu.memory_space<hbm>> -> memref<256x128xf32, #tpu.memory_space<hbm>>
      %dma_start3A_196 = arith.constant 0 : i32
      %dma_start3A_197 = tpu.memref_slice %arg4[%add3A_193, %dma_start3A_196] : memref<327680x128xf32, #tpu.memory_space<hbm>> -> memref<256x128xf32, #tpu.memory_space<hbm>>
      tpu.enqueue_dma source(%arg6 : memref<256x128xf32, #tpu.memory_space<vmem>>) target(%dma_start3A_197 : memref<256x128xf32, #tpu.memory_space<hbm>>) target_semaphore(%arg9 : memref<!tpu.dma_semaphore, #tpu.memory_space<semaphore_mem>>)
      %dma_wait3A_198 = arith.constant 0 : i32
      %dma_wait3A_199 = tpu.memref_slice %arg4[%add3A_193, %dma_wait3A_198] : memref<327680x128xf32, #tpu.memory_space<hbm>> -> memref<256x128xf32, #tpu.memory_space<hbm>>
      %dma_wait3A_200 = arith.constant 0 : i32
      %dma_wait3A_201 = tpu.memref_slice %arg4[%add3A_193, %dma_wait3A_200] : memref<327680x128xf32, #tpu.memory_space<hbm>> -> memref<256x128xf32, #tpu.memory_space<hbm>>
      tpu.wait_dma2 semaphore(%arg9 : memref<!tpu.dma_semaphore, #tpu.memory_space<semaphore_mem>>) src(%arg6 : memref<256x128xf32, #tpu.memory_space<vmem>>) dst(%dma_wait3A_201 : memref<256x128xf32, #tpu.memory_space<hbm>>)
    }
    %scan3A_29 = arith.constant 40 : i32
    return
  }
}

#map = affine_map<(d0, d1) -> (0, 0)>
#map1 = affine_map<(d0, d1) -> (0, 0, 0)>
module attributes {stable_mosaic.version = 14 : i64} {
  func.func @sc_scatter(%arg0: i32, %arg1: i32, %arg2: memref<327680x128xf32, #tpu.memory_space<hbm>>, %arg3: memref<32x80x128xi32, #tpu.memory_space<hbm>>, %arg4: memref<128x128xf32, #tpu.memory_space<hbm>>, %arg5: memref<20224x128xf32, #tpu.memory_space<hbm>>, %arg6: memref<80x128xi32, #tpu.memory_space<vmem>>, %arg7: memref<256x128xf32, #tpu.memory_space<vmem>>, %arg8: memref<10112x128xf32, #tpu.memory_space<vmem_shared>>, %arg9: memref<!tpu.dma_semaphore, #tpu.memory_space<semaphore_mem>>, %arg10: memref<!tpu.dma_semaphore, #tpu.memory_space<semaphore_mem>>) attributes {dimension_semantics = [#tpu.dimension_semantics<core_parallel>, #tpu.dimension_semantics<subcore_parallel>], iteration_bounds = array<i64: 2, 16>, scalar_prefetch = 0 : i64, scratch_operands = 5 : i64, tpu.core_type = #tpu.core_type<sc_vector_subcore>, window_params = [{transform_indices = #map}, {transform_indices = #map1}, {transform_indices = #map}, {transform_indices = #map}]} {
    %mul3A = arith.constant 16 : i32
    %mul3A_0 = arith.muli %arg0, %mul3A : i32
    %add3A = arith.addi %mul3A_0, %arg1 : i32
    "tpu.region"() ({
      %run_scoped3A = tpu.sem_alloc : memref<!tpu.dma_semaphore, #tpu.memory_space<semaphore_mem>>
      %dma_start3A = arith.constant 0 : i32
      %dma_start3A_44 = arith.constant 0 : i32
      %dma_start3A_45 = tpu.memref_slice %arg7[%dma_start3A, %dma_start3A_44] : memref<256x128xf32, #tpu.memory_space<vmem>> -> memref<128x128xf32, #tpu.memory_space<vmem>>
      %dma_start3A_46 = arith.constant 0 : i32
      %dma_start3A_47 = arith.constant 0 : i32
      %dma_start3A_48 = tpu.memref_slice %arg7[%dma_start3A_46, %dma_start3A_47] : memref<256x128xf32, #tpu.memory_space<vmem>> -> memref<128x128xf32, #tpu.memory_space<vmem>>
      tpu.enqueue_dma source(%arg4 : memref<128x128xf32, #tpu.memory_space<hbm>>) target(%dma_start3A_48 : memref<128x128xf32, #tpu.memory_space<vmem>>) target_semaphore(%run_scoped3A : memref<!tpu.dma_semaphore, #tpu.memory_space<semaphore_mem>>)
      %dma_wait3A = arith.constant 0 : i32
      %dma_wait3A_49 = arith.constant 0 : i32
      %dma_wait3A_50 = tpu.memref_slice %arg7[%dma_wait3A, %dma_wait3A_49] : memref<256x128xf32, #tpu.memory_space<vmem>> -> memref<128x128xf32, #tpu.memory_space<vmem>>
      %dma_wait3A_51 = arith.constant 0 : i32
      %dma_wait3A_52 = arith.constant 0 : i32
      %dma_wait3A_53 = tpu.memref_slice %arg7[%dma_wait3A_51, %dma_wait3A_52] : memref<256x128xf32, #tpu.memory_space<vmem>> -> memref<128x128xf32, #tpu.memory_space<vmem>>
      tpu.wait_dma2 semaphore(%run_scoped3A : memref<!tpu.dma_semaphore, #tpu.memory_space<semaphore_mem>>) src(%arg4 : memref<128x128xf32, #tpu.memory_space<hbm>>) dst(%dma_wait3A_53 : memref<128x128xf32, #tpu.memory_space<vmem>>)
      tpu.yield
    }) : () -> ()
    %mul3A_1 = arith.constant 632 : i32
    %mul3A_2 = arith.muli %arg1, %mul3A_1 : i32
    %add3A_3 = arith.constant 0 : i32
    %add3A_4 = arith.addi %mul3A_2, %add3A_3 : i32
    "tpu.region"() ({
      %run_scoped3A = tpu.sem_alloc : memref<!tpu.dma_semaphore, #tpu.memory_space<semaphore_mem>>
      %dma_start3A = arith.constant 0 : i32
      %dma_start3A_44 = arith.constant 0 : i32
      %dma_start3A_45 = tpu.memref_slice %arg7[%dma_start3A, %dma_start3A_44] : memref<256x128xf32, #tpu.memory_space<vmem>> -> memref<128x128xf32, #tpu.memory_space<vmem>>
      %dma_start3A_46 = arith.constant 0 : i32
      %dma_start3A_47 = tpu.memref_slice %arg8[%add3A_4, %dma_start3A_46] : memref<10112x128xf32, #tpu.memory_space<vmem_shared>> -> memref<128x128xf32, #tpu.memory_space<vmem_shared>>
      %dma_start3A_48 = arith.constant 0 : i32
      %dma_start3A_49 = tpu.memref_slice %arg8[%add3A_4, %dma_start3A_48] : memref<10112x128xf32, #tpu.memory_space<vmem_shared>> -> memref<128x128xf32, #tpu.memory_space<vmem_shared>>
      %dma_start3A_50 = arith.constant 0 : i32
      %dma_start3A_51 = arith.constant 0 : i32
      %dma_start3A_52 = tpu.memref_slice %arg7[%dma_start3A_50, %dma_start3A_51] : memref<256x128xf32, #tpu.memory_space<vmem>> -> memref<128x128xf32, #tpu.memory_space<vmem>>
      tpu.enqueue_dma source(%dma_start3A_52 : memref<128x128xf32, #tpu.memory_space<vmem>>) target(%dma_start3A_49 : memref<128x128xf32, #tpu.memory_space<vmem_shared>>) target_semaphore(%run_scoped3A : memref<!tpu.dma_semaphore, #tpu.memory_space<semaphore_mem>>)
      %dma_wait3A = arith.constant 0 : i32
      %dma_wait3A_53 = arith.constant 0 : i32
      %dma_wait3A_54 = tpu.memref_slice %arg7[%dma_wait3A, %dma_wait3A_53] : memref<256x128xf32, #tpu.memory_space<vmem>> -> memref<128x128xf32, #tpu.memory_space<vmem>>
      %dma_wait3A_55 = arith.constant 0 : i32
      %dma_wait3A_56 = tpu.memref_slice %arg8[%add3A_4, %dma_wait3A_55] : memref<10112x128xf32, #tpu.memory_space<vmem_shared>> -> memref<128x128xf32, #tpu.memory_space<vmem_shared>>
      %dma_wait3A_57 = arith.constant 0 : i32
      %dma_wait3A_58 = tpu.memref_slice %arg8[%add3A_4, %dma_wait3A_57] : memref<10112x128xf32, #tpu.memory_space<vmem_shared>> -> memref<128x128xf32, #tpu.memory_space<vmem_shared>>
      %dma_wait3A_59 = arith.constant 0 : i32
      %dma_wait3A_60 = arith.constant 0 : i32
      %dma_wait3A_61 = tpu.memref_slice %arg7[%dma_wait3A_59, %dma_wait3A_60] : memref<256x128xf32, #tpu.memory_space<vmem>> -> memref<128x128xf32, #tpu.memory_space<vmem>>
      tpu.wait_dma2 semaphore(%run_scoped3A : memref<!tpu.dma_semaphore, #tpu.memory_space<semaphore_mem>>) src(%dma_wait3A_61 : memref<128x128xf32, #tpu.memory_space<vmem>>) dst(%dma_wait3A_58 : memref<128x128xf32, #tpu.memory_space<vmem_shared>>)
      tpu.yield
    }) : () -> ()
    %add3A_5 = arith.constant 128 : i32
    %add3A_6 = arith.addi %mul3A_2, %add3A_5 : i32
    "tpu.region"() ({
      %run_scoped3A = tpu.sem_alloc : memref<!tpu.dma_semaphore, #tpu.memory_space<semaphore_mem>>
      %dma_start3A = arith.constant 0 : i32
      %dma_start3A_44 = arith.constant 0 : i32
      %dma_start3A_45 = tpu.memref_slice %arg7[%dma_start3A, %dma_start3A_44] : memref<256x128xf32, #tpu.memory_space<vmem>> -> memref<128x128xf32, #tpu.memory_space<vmem>>
      %dma_start3A_46 = arith.constant 0 : i32
      %dma_start3A_47 = tpu.memref_slice %arg8[%add3A_6, %dma_start3A_46] : memref<10112x128xf32, #tpu.memory_space<vmem_shared>> -> memref<128x128xf32, #tpu.memory_space<vmem_shared>>
      %dma_start3A_48 = arith.constant 0 : i32
      %dma_start3A_49 = tpu.memref_slice %arg8[%add3A_6, %dma_start3A_48] : memref<10112x128xf32, #tpu.memory_space<vmem_shared>> -> memref<128x128xf32, #tpu.memory_space<vmem_shared>>
      %dma_start3A_50 = arith.constant 0 : i32
      %dma_start3A_51 = arith.constant 0 : i32
      %dma_start3A_52 = tpu.memref_slice %arg7[%dma_start3A_50, %dma_start3A_51] : memref<256x128xf32, #tpu.memory_space<vmem>> -> memref<128x128xf32, #tpu.memory_space<vmem>>
      tpu.enqueue_dma source(%dma_start3A_52 : memref<128x128xf32, #tpu.memory_space<vmem>>) target(%dma_start3A_49 : memref<128x128xf32, #tpu.memory_space<vmem_shared>>) target_semaphore(%run_scoped3A : memref<!tpu.dma_semaphore, #tpu.memory_space<semaphore_mem>>)
      %dma_wait3A = arith.constant 0 : i32
      %dma_wait3A_53 = arith.constant 0 : i32
      %dma_wait3A_54 = tpu.memref_slice %arg7[%dma_wait3A, %dma_wait3A_53] : memref<256x128xf32, #tpu.memory_space<vmem>> -> memref<128x128xf32, #tpu.memory_space<vmem>>
      %dma_wait3A_55 = arith.constant 0 : i32
      %dma_wait3A_56 = tpu.memref_slice %arg8[%add3A_6, %dma_wait3A_55] : memref<10112x128xf32, #tpu.memory_space<vmem_shared>> -> memref<128x128xf32, #tpu.memory_space<vmem_shared>>
      %dma_wait3A_57 = arith.constant 0 : i32
      %dma_wait3A_58 = tpu.memref_slice %arg8[%add3A_6, %dma_wait3A_57] : memref<10112x128xf32, #tpu.memory_space<vmem_shared>> -> memref<128x128xf32, #tpu.memory_space<vmem_shared>>
      %dma_wait3A_59 = arith.constant 0 : i32
      %dma_wait3A_60 = arith.constant 0 : i32
      %dma_wait3A_61 = tpu.memref_slice %arg7[%dma_wait3A_59, %dma_wait3A_60] : memref<256x128xf32, #tpu.memory_space<vmem>> -> memref<128x128xf32, #tpu.memory_space<vmem>>
      tpu.wait_dma2 semaphore(%run_scoped3A : memref<!tpu.dma_semaphore, #tpu.memory_space<semaphore_mem>>) src(%dma_wait3A_61 : memref<128x128xf32, #tpu.memory_space<vmem>>) dst(%dma_wait3A_58 : memref<128x128xf32, #tpu.memory_space<vmem_shared>>)
      tpu.yield
    }) : () -> ()
    %add3A_7 = arith.constant 256 : i32
    %add3A_8 = arith.addi %mul3A_2, %add3A_7 : i32
    "tpu.region"() ({
      %run_scoped3A = tpu.sem_alloc : memref<!tpu.dma_semaphore, #tpu.memory_space<semaphore_mem>>
      %dma_start3A = arith.constant 0 : i32
      %dma_start3A_44 = arith.constant 0 : i32
      %dma_start3A_45 = tpu.memref_slice %arg7[%dma_start3A, %dma_start3A_44] : memref<256x128xf32, #tpu.memory_space<vmem>> -> memref<128x128xf32, #tpu.memory_space<vmem>>
      %dma_start3A_46 = arith.constant 0 : i32
      %dma_start3A_47 = tpu.memref_slice %arg8[%add3A_8, %dma_start3A_46] : memref<10112x128xf32, #tpu.memory_space<vmem_shared>> -> memref<128x128xf32, #tpu.memory_space<vmem_shared>>
      %dma_start3A_48 = arith.constant 0 : i32
      %dma_start3A_49 = tpu.memref_slice %arg8[%add3A_8, %dma_start3A_48] : memref<10112x128xf32, #tpu.memory_space<vmem_shared>> -> memref<128x128xf32, #tpu.memory_space<vmem_shared>>
      %dma_start3A_50 = arith.constant 0 : i32
      %dma_start3A_51 = arith.constant 0 : i32
      %dma_start3A_52 = tpu.memref_slice %arg7[%dma_start3A_50, %dma_start3A_51] : memref<256x128xf32, #tpu.memory_space<vmem>> -> memref<128x128xf32, #tpu.memory_space<vmem>>
      tpu.enqueue_dma source(%dma_start3A_52 : memref<128x128xf32, #tpu.memory_space<vmem>>) target(%dma_start3A_49 : memref<128x128xf32, #tpu.memory_space<vmem_shared>>) target_semaphore(%run_scoped3A : memref<!tpu.dma_semaphore, #tpu.memory_space<semaphore_mem>>)
      %dma_wait3A = arith.constant 0 : i32
      %dma_wait3A_53 = arith.constant 0 : i32
      %dma_wait3A_54 = tpu.memref_slice %arg7[%dma_wait3A, %dma_wait3A_53] : memref<256x128xf32, #tpu.memory_space<vmem>> -> memref<128x128xf32, #tpu.memory_space<vmem>>
      %dma_wait3A_55 = arith.constant 0 : i32
      %dma_wait3A_56 = tpu.memref_slice %arg8[%add3A_8, %dma_wait3A_55] : memref<10112x128xf32, #tpu.memory_space<vmem_shared>> -> memref<128x128xf32, #tpu.memory_space<vmem_shared>>
      %dma_wait3A_57 = arith.constant 0 : i32
      %dma_wait3A_58 = tpu.memref_slice %arg8[%add3A_8, %dma_wait3A_57] : memref<10112x128xf32, #tpu.memory_space<vmem_shared>> -> memref<128x128xf32, #tpu.memory_space<vmem_shared>>
      %dma_wait3A_59 = arith.constant 0 : i32
      %dma_wait3A_60 = arith.constant 0 : i32
      %dma_wait3A_61 = tpu.memref_slice %arg7[%dma_wait3A_59, %dma_wait3A_60] : memref<256x128xf32, #tpu.memory_space<vmem>> -> memref<128x128xf32, #tpu.memory_space<vmem>>
      tpu.wait_dma2 semaphore(%run_scoped3A : memref<!tpu.dma_semaphore, #tpu.memory_space<semaphore_mem>>) src(%dma_wait3A_61 : memref<128x128xf32, #tpu.memory_space<vmem>>) dst(%dma_wait3A_58 : memref<128x128xf32, #tpu.memory_space<vmem_shared>>)
      tpu.yield
    }) : () -> ()
    %add3A_9 = arith.constant 384 : i32
    %add3A_10 = arith.addi %mul3A_2, %add3A_9 : i32
    "tpu.region"() ({
      %run_scoped3A = tpu.sem_alloc : memref<!tpu.dma_semaphore, #tpu.memory_space<semaphore_mem>>
      %dma_start3A = arith.constant 0 : i32
      %dma_start3A_44 = arith.constant 0 : i32
      %dma_start3A_45 = tpu.memref_slice %arg7[%dma_start3A, %dma_start3A_44] : memref<256x128xf32, #tpu.memory_space<vmem>> -> memref<128x128xf32, #tpu.memory_space<vmem>>
      %dma_start3A_46 = arith.constant 0 : i32
      %dma_start3A_47 = tpu.memref_slice %arg8[%add3A_10, %dma_start3A_46] : memref<10112x128xf32, #tpu.memory_space<vmem_shared>> -> memref<128x128xf32, #tpu.memory_space<vmem_shared>>
      %dma_start3A_48 = arith.constant 0 : i32
      %dma_start3A_49 = tpu.memref_slice %arg8[%add3A_10, %dma_start3A_48] : memref<10112x128xf32, #tpu.memory_space<vmem_shared>> -> memref<128x128xf32, #tpu.memory_space<vmem_shared>>
      %dma_start3A_50 = arith.constant 0 : i32
      %dma_start3A_51 = arith.constant 0 : i32
      %dma_start3A_52 = tpu.memref_slice %arg7[%dma_start3A_50, %dma_start3A_51] : memref<256x128xf32, #tpu.memory_space<vmem>> -> memref<128x128xf32, #tpu.memory_space<vmem>>
      tpu.enqueue_dma source(%dma_start3A_52 : memref<128x128xf32, #tpu.memory_space<vmem>>) target(%dma_start3A_49 : memref<128x128xf32, #tpu.memory_space<vmem_shared>>) target_semaphore(%run_scoped3A : memref<!tpu.dma_semaphore, #tpu.memory_space<semaphore_mem>>)
      %dma_wait3A = arith.constant 0 : i32
      %dma_wait3A_53 = arith.constant 0 : i32
      %dma_wait3A_54 = tpu.memref_slice %arg7[%dma_wait3A, %dma_wait3A_53] : memref<256x128xf32, #tpu.memory_space<vmem>> -> memref<128x128xf32, #tpu.memory_space<vmem>>
      %dma_wait3A_55 = arith.constant 0 : i32
      %dma_wait3A_56 = tpu.memref_slice %arg8[%add3A_10, %dma_wait3A_55] : memref<10112x128xf32, #tpu.memory_space<vmem_shared>> -> memref<128x128xf32, #tpu.memory_space<vmem_shared>>
      %dma_wait3A_57 = arith.constant 0 : i32
      %dma_wait3A_58 = tpu.memref_slice %arg8[%add3A_10, %dma_wait3A_57] : memref<10112x128xf32, #tpu.memory_space<vmem_shared>> -> memref<128x128xf32, #tpu.memory_space<vmem_shared>>
      %dma_wait3A_59 = arith.constant 0 : i32
      %dma_wait3A_60 = arith.constant 0 : i32
      %dma_wait3A_61 = tpu.memref_slice %arg7[%dma_wait3A_59, %dma_wait3A_60] : memref<256x128xf32, #tpu.memory_space<vmem>> -> memref<128x128xf32, #tpu.memory_space<vmem>>
      tpu.wait_dma2 semaphore(%run_scoped3A : memref<!tpu.dma_semaphore, #tpu.memory_space<semaphore_mem>>) src(%dma_wait3A_61 : memref<128x128xf32, #tpu.memory_space<vmem>>) dst(%dma_wait3A_58 : memref<128x128xf32, #tpu.memory_space<vmem_shared>>)
      tpu.yield
    }) : () -> ()
    %add3A_11 = arith.constant 512 : i32
    %add3A_12 = arith.addi %mul3A_2, %add3A_11 : i32
    "tpu.region"() ({
      %run_scoped3A = tpu.sem_alloc : memref<!tpu.dma_semaphore, #tpu.memory_space<semaphore_mem>>
      %dma_start3A = arith.constant 0 : i32
      %dma_start3A_44 = arith.constant 0 : i32
      %dma_start3A_45 = tpu.memref_slice %arg7[%dma_start3A, %dma_start3A_44] : memref<256x128xf32, #tpu.memory_space<vmem>> -> memref<120x128xf32, #tpu.memory_space<vmem>>
      %dma_start3A_46 = arith.constant 0 : i32
      %dma_start3A_47 = tpu.memref_slice %arg8[%add3A_12, %dma_start3A_46] : memref<10112x128xf32, #tpu.memory_space<vmem_shared>> -> memref<120x128xf32, #tpu.memory_space<vmem_shared>>
      %dma_start3A_48 = arith.constant 0 : i32
      %dma_start3A_49 = tpu.memref_slice %arg8[%add3A_12, %dma_start3A_48] : memref<10112x128xf32, #tpu.memory_space<vmem_shared>> -> memref<120x128xf32, #tpu.memory_space<vmem_shared>>
      %dma_start3A_50 = arith.constant 0 : i32
      %dma_start3A_51 = arith.constant 0 : i32
      %dma_start3A_52 = tpu.memref_slice %arg7[%dma_start3A_50, %dma_start3A_51] : memref<256x128xf32, #tpu.memory_space<vmem>> -> memref<120x128xf32, #tpu.memory_space<vmem>>
      tpu.enqueue_dma source(%dma_start3A_52 : memref<120x128xf32, #tpu.memory_space<vmem>>) target(%dma_start3A_49 : memref<120x128xf32, #tpu.memory_space<vmem_shared>>) target_semaphore(%run_scoped3A : memref<!tpu.dma_semaphore, #tpu.memory_space<semaphore_mem>>)
      %dma_wait3A = arith.constant 0 : i32
      %dma_wait3A_53 = arith.constant 0 : i32
      %dma_wait3A_54 = tpu.memref_slice %arg7[%dma_wait3A, %dma_wait3A_53] : memref<256x128xf32, #tpu.memory_space<vmem>> -> memref<120x128xf32, #tpu.memory_space<vmem>>
      %dma_wait3A_55 = arith.constant 0 : i32
      %dma_wait3A_56 = tpu.memref_slice %arg8[%add3A_12, %dma_wait3A_55] : memref<10112x128xf32, #tpu.memory_space<vmem_shared>> -> memref<120x128xf32, #tpu.memory_space<vmem_shared>>
      %dma_wait3A_57 = arith.constant 0 : i32
      %dma_wait3A_58 = tpu.memref_slice %arg8[%add3A_12, %dma_wait3A_57] : memref<10112x128xf32, #tpu.memory_space<vmem_shared>> -> memref<120x128xf32, #tpu.memory_space<vmem_shared>>
      %dma_wait3A_59 = arith.constant 0 : i32
      %dma_wait3A_60 = arith.constant 0 : i32
      %dma_wait3A_61 = tpu.memref_slice %arg7[%dma_wait3A_59, %dma_wait3A_60] : memref<256x128xf32, #tpu.memory_space<vmem>> -> memref<120x128xf32, #tpu.memory_space<vmem>>
      tpu.wait_dma2 semaphore(%run_scoped3A : memref<!tpu.dma_semaphore, #tpu.memory_space<semaphore_mem>>) src(%dma_wait3A_61 : memref<120x128xf32, #tpu.memory_space<vmem>>) dst(%dma_wait3A_58 : memref<120x128xf32, #tpu.memory_space<vmem_shared>>)
      tpu.yield
    }) : () -> ()
    %barrier3A = arith.constant 0 : index
    tpu.barrier barrier_id(%barrier3A)
    %mul3A_13 = arith.constant 10240 : i32
    %mul3A_14 = arith.muli %add3A, %mul3A_13 : i32
    "tpu.region"() ({
      %run_scoped3A = tpu.sem_alloc : memref<!tpu.dma_semaphore, #tpu.memory_space<semaphore_mem>>
      %dma_start3A = arith.constant 0 : i32
      %dma_start3A_44 = arith.constant 0 : i32
      %dma_start3A_45 = tpu.memref_slice %arg3[%add3A, %dma_start3A, %dma_start3A_44] : memref<32x80x128xi32, #tpu.memory_space<hbm>> -> memref<1x80x128xi32, #tpu.memory_space<hbm>>
      %dma_start3A_46 = tpu.memref_squeeze %dma_start3A_45 : memref<1x80x128xi32, #tpu.memory_space<hbm>> -> memref<80x128xi32, #tpu.memory_space<hbm>>
      %dma_start3A_47 = arith.constant 0 : i32
      %dma_start3A_48 = arith.constant 0 : i32
      %dma_start3A_49 = tpu.memref_slice %arg3[%add3A, %dma_start3A_47, %dma_start3A_48] : memref<32x80x128xi32, #tpu.memory_space<hbm>> -> memref<1x80x128xi32, #tpu.memory_space<hbm>>
      %dma_start3A_50 = tpu.memref_squeeze %dma_start3A_49 : memref<1x80x128xi32, #tpu.memory_space<hbm>> -> memref<80x128xi32, #tpu.memory_space<hbm>>
      tpu.enqueue_dma source(%dma_start3A_50 : memref<80x128xi32, #tpu.memory_space<hbm>>) target(%arg6 : memref<80x128xi32, #tpu.memory_space<vmem>>) target_semaphore(%run_scoped3A : memref<!tpu.dma_semaphore, #tpu.memory_space<semaphore_mem>>)
      %dma_wait3A = arith.constant 0 : i32
      %dma_wait3A_51 = arith.constant 0 : i32
      %dma_wait3A_52 = tpu.memref_slice %arg3[%add3A, %dma_wait3A, %dma_wait3A_51] : memref<32x80x128xi32, #tpu.memory_space<hbm>> -> memref<1x80x128xi32, #tpu.memory_space<hbm>>
      %dma_wait3A_53 = tpu.memref_squeeze %dma_wait3A_52 : memref<1x80x128xi32, #tpu.memory_space<hbm>> -> memref<80x128xi32, #tpu.memory_space<hbm>>
      %dma_wait3A_54 = arith.constant 0 : i32
      %dma_wait3A_55 = arith.constant 0 : i32
      %dma_wait3A_56 = tpu.memref_slice %arg3[%add3A, %dma_wait3A_54, %dma_wait3A_55] : memref<32x80x128xi32, #tpu.memory_space<hbm>> -> memref<1x80x128xi32, #tpu.memory_space<hbm>>
      %dma_wait3A_57 = tpu.memref_squeeze %dma_wait3A_56 : memref<1x80x128xi32, #tpu.memory_space<hbm>> -> memref<80x128xi32, #tpu.memory_space<hbm>>
      tpu.wait_dma2 semaphore(%run_scoped3A : memref<!tpu.dma_semaphore, #tpu.memory_space<semaphore_mem>>) src(%dma_wait3A_57 : memref<80x128xi32, #tpu.memory_space<hbm>>) dst(%arg6 : memref<80x128xi32, #tpu.memory_space<vmem>>)
      tpu.yield
    }) : () -> ()
    %scan3A = arith.constant 0 : i32
    %scan3A_15 = arith.constant 0 : i32
    %scan3A_16 = arith.constant 40 : i32
    %scan3A_17 = arith.addi %scan3A_15, %scan3A_16 : i32
    %scan3A_18 = arith.constant 1 : i32
    scf.for %scan3A_44 = %scan3A_15 to %scan3A_17 step %scan3A_18  : i32 {
      %mul3A_45 = arith.constant 2 : i32
      %mul3A_46 = arith.muli %scan3A_44, %mul3A_45 : i32
      %mul3A_47 = arith.constant 128 : i32
      %mul3A_48 = arith.muli %mul3A_46, %mul3A_47 : i32
      %add3A_49 = arith.addi %mul3A_14, %mul3A_48 : i32
      %dma_start3A = arith.constant 0 : i32
      %dma_start3A_50 = tpu.memref_slice %arg2[%add3A_49, %dma_start3A] : memref<327680x128xf32, #tpu.memory_space<hbm>> -> memref<256x128xf32, #tpu.memory_space<hbm>>
      %dma_start3A_51 = arith.constant 0 : i32
      %dma_start3A_52 = tpu.memref_slice %arg2[%add3A_49, %dma_start3A_51] : memref<327680x128xf32, #tpu.memory_space<hbm>> -> memref<256x128xf32, #tpu.memory_space<hbm>>
      tpu.enqueue_dma source(%dma_start3A_52 : memref<256x128xf32, #tpu.memory_space<hbm>>) target(%arg7 : memref<256x128xf32, #tpu.memory_space<vmem>>) target_semaphore(%arg9 : memref<!tpu.dma_semaphore, #tpu.memory_space<semaphore_mem>>)
      %dma_wait3A = arith.constant 0 : i32
      %dma_wait3A_53 = tpu.memref_slice %arg2[%add3A_49, %dma_wait3A] : memref<327680x128xf32, #tpu.memory_space<hbm>> -> memref<256x128xf32, #tpu.memory_space<hbm>>
      %dma_wait3A_54 = arith.constant 0 : i32
      %dma_wait3A_55 = tpu.memref_slice %arg2[%add3A_49, %dma_wait3A_54] : memref<327680x128xf32, #tpu.memory_space<hbm>> -> memref<256x128xf32, #tpu.memory_space<hbm>>
      tpu.wait_dma2 semaphore(%arg9 : memref<!tpu.dma_semaphore, #tpu.memory_space<semaphore_mem>>) src(%dma_wait3A_55 : memref<256x128xf32, #tpu.memory_space<hbm>>) dst(%arg7 : memref<256x128xf32, #tpu.memory_space<vmem>>)
      %add3A_56 = arith.constant 0 : i32
      %add3A_57 = arith.addi %mul3A_46, %add3A_56 : i32
      %dma_start3A_58 = arith.constant 0 : i32
      %dma_start3A_59 = arith.constant 0 : i32
      %dma_start3A_60 = tpu.memref_slice %arg7[%dma_start3A_58, %dma_start3A_59] : memref<256x128xf32, #tpu.memory_space<vmem>> -> memref<128x128xf32, #tpu.memory_space<vmem>>
      %dma_start3A_61 = arith.constant 0 : i32
      %dma_start3A_62 = tpu.memref_slice %arg6[%add3A_57, %dma_start3A_61] : memref<80x128xi32, #tpu.memory_space<vmem>> -> memref<1x128xi32, #tpu.memory_space<vmem>>
      %dma_start3A_63 = tpu.memref_squeeze %dma_start3A_62 : memref<1x128xi32, #tpu.memory_space<vmem>> -> memref<128xi32, #tpu.memory_space<vmem>>
      %dma_start3A_64 = arith.constant 0 : i32
      %dma_start3A_65 = arith.constant 0 : i32
      %dma_start3A_66 = tpu.memref_slice %arg8[%dma_start3A_64, %dma_start3A_65] : memref<10112x128xf32, #tpu.memory_space<vmem_shared>> -> memref<10112x128xf32, #tpu.memory_space<vmem_shared>>
      tpu.enqueue_indirect_dma source(%dma_start3A_60 : memref<128x128xf32, #tpu.memory_space<vmem>>) target(%dma_start3A_66 : memref<10112x128xf32, #tpu.memory_space<vmem_shared>>) offsets(%dma_start3A_63 : memref<128xi32, #tpu.memory_space<vmem>>) semaphore(%arg10 : memref<!tpu.dma_semaphore, #tpu.memory_space<semaphore_mem>>) {add = true}
      %add3A_67 = arith.constant 1 : i32
      %add3A_68 = arith.addi %mul3A_46, %add3A_67 : i32
      %dma_start3A_69 = arith.constant 128 : i32
      %dma_start3A_70 = arith.constant 0 : i32
      %dma_start3A_71 = tpu.memref_slice %arg7[%dma_start3A_69, %dma_start3A_70] : memref<256x128xf32, #tpu.memory_space<vmem>> -> memref<128x128xf32, #tpu.memory_space<vmem>>
      %dma_start3A_72 = arith.constant 0 : i32
      %dma_start3A_73 = tpu.memref_slice %arg6[%add3A_68, %dma_start3A_72] : memref<80x128xi32, #tpu.memory_space<vmem>> -> memref<1x128xi32, #tpu.memory_space<vmem>>
      %dma_start3A_74 = tpu.memref_squeeze %dma_start3A_73 : memref<1x128xi32, #tpu.memory_space<vmem>> -> memref<128xi32, #tpu.memory_space<vmem>>
      %dma_start3A_75 = arith.constant 0 : i32
      %dma_start3A_76 = arith.constant 0 : i32
      %dma_start3A_77 = tpu.memref_slice %arg8[%dma_start3A_75, %dma_start3A_76] : memref<10112x128xf32, #tpu.memory_space<vmem_shared>> -> memref<10112x128xf32, #tpu.memory_space<vmem_shared>>
      tpu.enqueue_indirect_dma source(%dma_start3A_71 : memref<128x128xf32, #tpu.memory_space<vmem>>) target(%dma_start3A_77 : memref<10112x128xf32, #tpu.memory_space<vmem_shared>>) offsets(%dma_start3A_74 : memref<128xi32, #tpu.memory_space<vmem>>) semaphore(%arg10 : memref<!tpu.dma_semaphore, #tpu.memory_space<semaphore_mem>>) {add = true}
      %dma_wait3A_78 = arith.constant 0 : i32
      %dma_wait3A_79 = arith.constant 0 : i32
      %dma_wait3A_80 = tpu.memref_slice %arg7[%dma_wait3A_78, %dma_wait3A_79] : memref<256x128xf32, #tpu.memory_space<vmem>> -> memref<128x128xf32, #tpu.memory_space<vmem>>
      %dma_wait3A_81 = arith.constant 0 : i32
      %dma_wait3A_82 = tpu.memref_slice %arg6[%add3A_57, %dma_wait3A_81] : memref<80x128xi32, #tpu.memory_space<vmem>> -> memref<1x128xi32, #tpu.memory_space<vmem>>
      %dma_wait3A_83 = tpu.memref_squeeze %dma_wait3A_82 : memref<1x128xi32, #tpu.memory_space<vmem>> -> memref<128xi32, #tpu.memory_space<vmem>>
      %dma_wait3A_84 = arith.constant 0 : i32
      %dma_wait3A_85 = arith.constant 0 : i32
      %dma_wait3A_86 = tpu.memref_slice %arg8[%dma_wait3A_84, %dma_wait3A_85] : memref<10112x128xf32, #tpu.memory_space<vmem_shared>> -> memref<10112x128xf32, #tpu.memory_space<vmem_shared>>
      tpu.wait_indirect_dma semaphore(%arg10 : memref<!tpu.dma_semaphore, #tpu.memory_space<semaphore_mem>>) src(%dma_wait3A_80 : memref<128x128xf32, #tpu.memory_space<vmem>>) dst(%dma_wait3A_86 : memref<10112x128xf32, #tpu.memory_space<vmem_shared>>)
      %dma_wait3A_87 = arith.constant 128 : i32
      %dma_wait3A_88 = arith.constant 0 : i32
      %dma_wait3A_89 = tpu.memref_slice %arg7[%dma_wait3A_87, %dma_wait3A_88] : memref<256x128xf32, #tpu.memory_space<vmem>> -> memref<128x128xf32, #tpu.memory_space<vmem>>
      %dma_wait3A_90 = arith.constant 0 : i32
      %dma_wait3A_91 = tpu.memref_slice %arg6[%add3A_68, %dma_wait3A_90] : memref<80x128xi32, #tpu.memory_space<vmem>> -> memref<1x128xi32, #tpu.memory_space<vmem>>
      %dma_wait3A_92 = tpu.memref_squeeze %dma_wait3A_91 : memref<1x128xi32, #tpu.memory_space<vmem>> -> memref<128xi32, #tpu.memory_space<vmem>>
      %dma_wait3A_93 = arith.constant 0 : i32
      %dma_wait3A_94 = arith.constant 0 : i32
      %dma_wait3A_95 = tpu.memref_slice %arg8[%dma_wait3A_93, %dma_wait3A_94] : memref<10112x128xf32, #tpu.memory_space<vmem_shared>> -> memref<10112x128xf32, #tpu.memory_space<vmem_shared>>
      tpu.wait_indirect_dma semaphore(%arg10 : memref<!tpu.dma_semaphore, #tpu.memory_space<semaphore_mem>>) src(%dma_wait3A_89 : memref<128x128xf32, #tpu.memory_space<vmem>>) dst(%dma_wait3A_95 : memref<10112x128xf32, #tpu.memory_space<vmem_shared>>)
    }
    %scan3A_19 = arith.constant 40 : i32
    %barrier3A_20 = arith.constant 0 : index
    tpu.barrier barrier_id(%barrier3A_20)
    %mul3A_21 = arith.constant 10112 : i32
    %mul3A_22 = arith.muli %arg0, %mul3A_21 : i32
    %add3A_23 = arith.addi %mul3A_22, %mul3A_2 : i32
    %add3A_24 = arith.constant 0 : i32
    %add3A_25 = arith.addi %mul3A_2, %add3A_24 : i32
    "tpu.region"() ({
      %run_scoped3A = tpu.sem_alloc : memref<!tpu.dma_semaphore, #tpu.memory_space<semaphore_mem>>
      %dma_start3A = arith.constant 0 : i32
      %dma_start3A_44 = arith.constant 0 : i32
      %dma_start3A_45 = tpu.memref_slice %arg7[%dma_start3A, %dma_start3A_44] : memref<256x128xf32, #tpu.memory_space<vmem>> -> memref<128x128xf32, #tpu.memory_space<vmem>>
      %dma_start3A_46 = arith.constant 0 : i32
      %dma_start3A_47 = tpu.memref_slice %arg8[%add3A_25, %dma_start3A_46] : memref<10112x128xf32, #tpu.memory_space<vmem_shared>> -> memref<128x128xf32, #tpu.memory_space<vmem_shared>>
      %dma_start3A_48 = arith.constant 0 : i32
      %dma_start3A_49 = arith.constant 0 : i32
      %dma_start3A_50 = tpu.memref_slice %arg7[%dma_start3A_48, %dma_start3A_49] : memref<256x128xf32, #tpu.memory_space<vmem>> -> memref<128x128xf32, #tpu.memory_space<vmem>>
      %dma_start3A_51 = arith.constant 0 : i32
      %dma_start3A_52 = tpu.memref_slice %arg8[%add3A_25, %dma_start3A_51] : memref<10112x128xf32, #tpu.memory_space<vmem_shared>> -> memref<128x128xf32, #tpu.memory_space<vmem_shared>>
      tpu.enqueue_dma source(%dma_start3A_52 : memref<128x128xf32, #tpu.memory_space<vmem_shared>>) target(%dma_start3A_50 : memref<128x128xf32, #tpu.memory_space<vmem>>) target_semaphore(%run_scoped3A : memref<!tpu.dma_semaphore, #tpu.memory_space<semaphore_mem>>)
      %dma_wait3A = arith.constant 0 : i32
      %dma_wait3A_53 = arith.constant 0 : i32
      %dma_wait3A_54 = tpu.memref_slice %arg7[%dma_wait3A, %dma_wait3A_53] : memref<256x128xf32, #tpu.memory_space<vmem>> -> memref<128x128xf32, #tpu.memory_space<vmem>>
      %dma_wait3A_55 = arith.constant 0 : i32
      %dma_wait3A_56 = tpu.memref_slice %arg8[%add3A_25, %dma_wait3A_55] : memref<10112x128xf32, #tpu.memory_space<vmem_shared>> -> memref<128x128xf32, #tpu.memory_space<vmem_shared>>
      %dma_wait3A_57 = arith.constant 0 : i32
      %dma_wait3A_58 = arith.constant 0 : i32
      %dma_wait3A_59 = tpu.memref_slice %arg7[%dma_wait3A_57, %dma_wait3A_58] : memref<256x128xf32, #tpu.memory_space<vmem>> -> memref<128x128xf32, #tpu.memory_space<vmem>>
      %dma_wait3A_60 = arith.constant 0 : i32
      %dma_wait3A_61 = tpu.memref_slice %arg8[%add3A_25, %dma_wait3A_60] : memref<10112x128xf32, #tpu.memory_space<vmem_shared>> -> memref<128x128xf32, #tpu.memory_space<vmem_shared>>
      tpu.wait_dma2 semaphore(%run_scoped3A : memref<!tpu.dma_semaphore, #tpu.memory_space<semaphore_mem>>) src(%dma_wait3A_61 : memref<128x128xf32, #tpu.memory_space<vmem_shared>>) dst(%dma_wait3A_59 : memref<128x128xf32, #tpu.memory_space<vmem>>)
      tpu.yield
    }) : () -> ()
    %add3A_26 = arith.constant 0 : i32
    %add3A_27 = arith.addi %add3A_23, %add3A_26 : i32
    "tpu.region"() ({
      %run_scoped3A = tpu.sem_alloc : memref<!tpu.dma_semaphore, #tpu.memory_space<semaphore_mem>>
      %dma_start3A = arith.constant 0 : i32
      %dma_start3A_44 = arith.constant 0 : i32
      %dma_start3A_45 = tpu.memref_slice %arg7[%dma_start3A, %dma_start3A_44] : memref<256x128xf32, #tpu.memory_space<vmem>> -> memref<128x128xf32, #tpu.memory_space<vmem>>
      %dma_start3A_46 = arith.constant 0 : i32
      %dma_start3A_47 = tpu.memref_slice %arg5[%add3A_27, %dma_start3A_46] : memref<20224x128xf32, #tpu.memory_space<hbm>> -> memref<128x128xf32, #tpu.memory_space<hbm>>
      %dma_start3A_48 = arith.constant 0 : i32
      %dma_start3A_49 = tpu.memref_slice %arg5[%add3A_27, %dma_start3A_48] : memref<20224x128xf32, #tpu.memory_space<hbm>> -> memref<128x128xf32, #tpu.memory_space<hbm>>
      %dma_start3A_50 = arith.constant 0 : i32
      %dma_start3A_51 = arith.constant 0 : i32
      %dma_start3A_52 = tpu.memref_slice %arg7[%dma_start3A_50, %dma_start3A_51] : memref<256x128xf32, #tpu.memory_space<vmem>> -> memref<128x128xf32, #tpu.memory_space<vmem>>
      tpu.enqueue_dma source(%dma_start3A_52 : memref<128x128xf32, #tpu.memory_space<vmem>>) target(%dma_start3A_49 : memref<128x128xf32, #tpu.memory_space<hbm>>) target_semaphore(%run_scoped3A : memref<!tpu.dma_semaphore, #tpu.memory_space<semaphore_mem>>)
      %dma_wait3A = arith.constant 0 : i32
      %dma_wait3A_53 = arith.constant 0 : i32
      %dma_wait3A_54 = tpu.memref_slice %arg7[%dma_wait3A, %dma_wait3A_53] : memref<256x128xf32, #tpu.memory_space<vmem>> -> memref<128x128xf32, #tpu.memory_space<vmem>>
      %dma_wait3A_55 = arith.constant 0 : i32
      %dma_wait3A_56 = tpu.memref_slice %arg5[%add3A_27, %dma_wait3A_55] : memref<20224x128xf32, #tpu.memory_space<hbm>> -> memref<128x128xf32, #tpu.memory_space<hbm>>
      %dma_wait3A_57 = arith.constant 0 : i32
      %dma_wait3A_58 = tpu.memref_slice %arg5[%add3A_27, %dma_wait3A_57] : memref<20224x128xf32, #tpu.memory_space<hbm>> -> memref<128x128xf32, #tpu.memory_space<hbm>>
      %dma_wait3A_59 = arith.constant 0 : i32
      %dma_wait3A_60 = arith.constant 0 : i32
      %dma_wait3A_61 = tpu.memref_slice %arg7[%dma_wait3A_59, %dma_wait3A_60] : memref<256x128xf32, #tpu.memory_space<vmem>> -> memref<128x128xf32, #tpu.memory_space<vmem>>
      tpu.wait_dma2 semaphore(%run_scoped3A : memref<!tpu.dma_semaphore, #tpu.memory_space<semaphore_mem>>) src(%dma_wait3A_61 : memref<128x128xf32, #tpu.memory_space<vmem>>) dst(%dma_wait3A_58 : memref<128x128xf32, #tpu.memory_space<hbm>>)
      tpu.yield
    }) : () -> ()
    %add3A_28 = arith.constant 128 : i32
    %add3A_29 = arith.addi %mul3A_2, %add3A_28 : i32
    "tpu.region"() ({
      %run_scoped3A = tpu.sem_alloc : memref<!tpu.dma_semaphore, #tpu.memory_space<semaphore_mem>>
      %dma_start3A = arith.constant 0 : i32
      %dma_start3A_44 = arith.constant 0 : i32
      %dma_start3A_45 = tpu.memref_slice %arg7[%dma_start3A, %dma_start3A_44] : memref<256x128xf32, #tpu.memory_space<vmem>> -> memref<128x128xf32, #tpu.memory_space<vmem>>
      %dma_start3A_46 = arith.constant 0 : i32
      %dma_start3A_47 = tpu.memref_slice %arg8[%add3A_29, %dma_start3A_46] : memref<10112x128xf32, #tpu.memory_space<vmem_shared>> -> memref<128x128xf32, #tpu.memory_space<vmem_shared>>
      %dma_start3A_48 = arith.constant 0 : i32
      %dma_start3A_49 = arith.constant 0 : i32
      %dma_start3A_50 = tpu.memref_slice %arg7[%dma_start3A_48, %dma_start3A_49] : memref<256x128xf32, #tpu.memory_space<vmem>> -> memref<128x128xf32, #tpu.memory_space<vmem>>
      %dma_start3A_51 = arith.constant 0 : i32
      %dma_start3A_52 = tpu.memref_slice %arg8[%add3A_29, %dma_start3A_51] : memref<10112x128xf32, #tpu.memory_space<vmem_shared>> -> memref<128x128xf32, #tpu.memory_space<vmem_shared>>
      tpu.enqueue_dma source(%dma_start3A_52 : memref<128x128xf32, #tpu.memory_space<vmem_shared>>) target(%dma_start3A_50 : memref<128x128xf32, #tpu.memory_space<vmem>>) target_semaphore(%run_scoped3A : memref<!tpu.dma_semaphore, #tpu.memory_space<semaphore_mem>>)
      %dma_wait3A = arith.constant 0 : i32
      %dma_wait3A_53 = arith.constant 0 : i32
      %dma_wait3A_54 = tpu.memref_slice %arg7[%dma_wait3A, %dma_wait3A_53] : memref<256x128xf32, #tpu.memory_space<vmem>> -> memref<128x128xf32, #tpu.memory_space<vmem>>
      %dma_wait3A_55 = arith.constant 0 : i32
      %dma_wait3A_56 = tpu.memref_slice %arg8[%add3A_29, %dma_wait3A_55] : memref<10112x128xf32, #tpu.memory_space<vmem_shared>> -> memref<128x128xf32, #tpu.memory_space<vmem_shared>>
      %dma_wait3A_57 = arith.constant 0 : i32
      %dma_wait3A_58 = arith.constant 0 : i32
      %dma_wait3A_59 = tpu.memref_slice %arg7[%dma_wait3A_57, %dma_wait3A_58] : memref<256x128xf32, #tpu.memory_space<vmem>> -> memref<128x128xf32, #tpu.memory_space<vmem>>
      %dma_wait3A_60 = arith.constant 0 : i32
      %dma_wait3A_61 = tpu.memref_slice %arg8[%add3A_29, %dma_wait3A_60] : memref<10112x128xf32, #tpu.memory_space<vmem_shared>> -> memref<128x128xf32, #tpu.memory_space<vmem_shared>>
      tpu.wait_dma2 semaphore(%run_scoped3A : memref<!tpu.dma_semaphore, #tpu.memory_space<semaphore_mem>>) src(%dma_wait3A_61 : memref<128x128xf32, #tpu.memory_space<vmem_shared>>) dst(%dma_wait3A_59 : memref<128x128xf32, #tpu.memory_space<vmem>>)
      tpu.yield
    }) : () -> ()
    %add3A_30 = arith.constant 128 : i32
    %add3A_31 = arith.addi %add3A_23, %add3A_30 : i32
    "tpu.region"() ({
      %run_scoped3A = tpu.sem_alloc : memref<!tpu.dma_semaphore, #tpu.memory_space<semaphore_mem>>
      %dma_start3A = arith.constant 0 : i32
      %dma_start3A_44 = arith.constant 0 : i32
      %dma_start3A_45 = tpu.memref_slice %arg7[%dma_start3A, %dma_start3A_44] : memref<256x128xf32, #tpu.memory_space<vmem>> -> memref<128x128xf32, #tpu.memory_space<vmem>>
      %dma_start3A_46 = arith.constant 0 : i32
      %dma_start3A_47 = tpu.memref_slice %arg5[%add3A_31, %dma_start3A_46] : memref<20224x128xf32, #tpu.memory_space<hbm>> -> memref<128x128xf32, #tpu.memory_space<hbm>>
      %dma_start3A_48 = arith.constant 0 : i32
      %dma_start3A_49 = tpu.memref_slice %arg5[%add3A_31, %dma_start3A_48] : memref<20224x128xf32, #tpu.memory_space<hbm>> -> memref<128x128xf32, #tpu.memory_space<hbm>>
      %dma_start3A_50 = arith.constant 0 : i32
      %dma_start3A_51 = arith.constant 0 : i32
      %dma_start3A_52 = tpu.memref_slice %arg7[%dma_start3A_50, %dma_start3A_51] : memref<256x128xf32, #tpu.memory_space<vmem>> -> memref<128x128xf32, #tpu.memory_space<vmem>>
      tpu.enqueue_dma source(%dma_start3A_52 : memref<128x128xf32, #tpu.memory_space<vmem>>) target(%dma_start3A_49 : memref<128x128xf32, #tpu.memory_space<hbm>>) target_semaphore(%run_scoped3A : memref<!tpu.dma_semaphore, #tpu.memory_space<semaphore_mem>>)
      %dma_wait3A = arith.constant 0 : i32
      %dma_wait3A_53 = arith.constant 0 : i32
      %dma_wait3A_54 = tpu.memref_slice %arg7[%dma_wait3A, %dma_wait3A_53] : memref<256x128xf32, #tpu.memory_space<vmem>> -> memref<128x128xf32, #tpu.memory_space<vmem>>
      %dma_wait3A_55 = arith.constant 0 : i32
      %dma_wait3A_56 = tpu.memref_slice %arg5[%add3A_31, %dma_wait3A_55] : memref<20224x128xf32, #tpu.memory_space<hbm>> -> memref<128x128xf32, #tpu.memory_space<hbm>>
      %dma_wait3A_57 = arith.constant 0 : i32
      %dma_wait3A_58 = tpu.memref_slice %arg5[%add3A_31, %dma_wait3A_57] : memref<20224x128xf32, #tpu.memory_space<hbm>> -> memref<128x128xf32, #tpu.memory_space<hbm>>
      %dma_wait3A_59 = arith.constant 0 : i32
      %dma_wait3A_60 = arith.constant 0 : i32
      %dma_wait3A_61 = tpu.memref_slice %arg7[%dma_wait3A_59, %dma_wait3A_60] : memref<256x128xf32, #tpu.memory_space<vmem>> -> memref<128x128xf32, #tpu.memory_space<vmem>>
      tpu.wait_dma2 semaphore(%run_scoped3A : memref<!tpu.dma_semaphore, #tpu.memory_space<semaphore_mem>>) src(%dma_wait3A_61 : memref<128x128xf32, #tpu.memory_space<vmem>>) dst(%dma_wait3A_58 : memref<128x128xf32, #tpu.memory_space<hbm>>)
      tpu.yield
    }) : () -> ()
    %add3A_32 = arith.constant 256 : i32
    %add3A_33 = arith.addi %mul3A_2, %add3A_32 : i32
    "tpu.region"() ({
      %run_scoped3A = tpu.sem_alloc : memref<!tpu.dma_semaphore, #tpu.memory_space<semaphore_mem>>
      %dma_start3A = arith.constant 0 : i32
      %dma_start3A_44 = arith.constant 0 : i32
      %dma_start3A_45 = tpu.memref_slice %arg7[%dma_start3A, %dma_start3A_44] : memref<256x128xf32, #tpu.memory_space<vmem>> -> memref<128x128xf32, #tpu.memory_space<vmem>>
      %dma_start3A_46 = arith.constant 0 : i32
      %dma_start3A_47 = tpu.memref_slice %arg8[%add3A_33, %dma_start3A_46] : memref<10112x128xf32, #tpu.memory_space<vmem_shared>> -> memref<128x128xf32, #tpu.memory_space<vmem_shared>>
      %dma_start3A_48 = arith.constant 0 : i32
      %dma_start3A_49 = arith.constant 0 : i32
      %dma_start3A_50 = tpu.memref_slice %arg7[%dma_start3A_48, %dma_start3A_49] : memref<256x128xf32, #tpu.memory_space<vmem>> -> memref<128x128xf32, #tpu.memory_space<vmem>>
      %dma_start3A_51 = arith.constant 0 : i32
      %dma_start3A_52 = tpu.memref_slice %arg8[%add3A_33, %dma_start3A_51] : memref<10112x128xf32, #tpu.memory_space<vmem_shared>> -> memref<128x128xf32, #tpu.memory_space<vmem_shared>>
      tpu.enqueue_dma source(%dma_start3A_52 : memref<128x128xf32, #tpu.memory_space<vmem_shared>>) target(%dma_start3A_50 : memref<128x128xf32, #tpu.memory_space<vmem>>) target_semaphore(%run_scoped3A : memref<!tpu.dma_semaphore, #tpu.memory_space<semaphore_mem>>)
      %dma_wait3A = arith.constant 0 : i32
      %dma_wait3A_53 = arith.constant 0 : i32
      %dma_wait3A_54 = tpu.memref_slice %arg7[%dma_wait3A, %dma_wait3A_53] : memref<256x128xf32, #tpu.memory_space<vmem>> -> memref<128x128xf32, #tpu.memory_space<vmem>>
      %dma_wait3A_55 = arith.constant 0 : i32
      %dma_wait3A_56 = tpu.memref_slice %arg8[%add3A_33, %dma_wait3A_55] : memref<10112x128xf32, #tpu.memory_space<vmem_shared>> -> memref<128x128xf32, #tpu.memory_space<vmem_shared>>
      %dma_wait3A_57 = arith.constant 0 : i32
      %dma_wait3A_58 = arith.constant 0 : i32
      %dma_wait3A_59 = tpu.memref_slice %arg7[%dma_wait3A_57, %dma_wait3A_58] : memref<256x128xf32, #tpu.memory_space<vmem>> -> memref<128x128xf32, #tpu.memory_space<vmem>>
      %dma_wait3A_60 = arith.constant 0 : i32
      %dma_wait3A_61 = tpu.memref_slice %arg8[%add3A_33, %dma_wait3A_60] : memref<10112x128xf32, #tpu.memory_space<vmem_shared>> -> memref<128x128xf32, #tpu.memory_space<vmem_shared>>
      tpu.wait_dma2 semaphore(%run_scoped3A : memref<!tpu.dma_semaphore, #tpu.memory_space<semaphore_mem>>) src(%dma_wait3A_61 : memref<128x128xf32, #tpu.memory_space<vmem_shared>>) dst(%dma_wait3A_59 : memref<128x128xf32, #tpu.memory_space<vmem>>)
      tpu.yield
    }) : () -> ()
    %add3A_34 = arith.constant 256 : i32
    %add3A_35 = arith.addi %add3A_23, %add3A_34 : i32
    "tpu.region"() ({
      %run_scoped3A = tpu.sem_alloc : memref<!tpu.dma_semaphore, #tpu.memory_space<semaphore_mem>>
      %dma_start3A = arith.constant 0 : i32
      %dma_start3A_44 = arith.constant 0 : i32
      %dma_start3A_45 = tpu.memref_slice %arg7[%dma_start3A, %dma_start3A_44] : memref<256x128xf32, #tpu.memory_space<vmem>> -> memref<128x128xf32, #tpu.memory_space<vmem>>
      %dma_start3A_46 = arith.constant 0 : i32
      %dma_start3A_47 = tpu.memref_slice %arg5[%add3A_35, %dma_start3A_46] : memref<20224x128xf32, #tpu.memory_space<hbm>> -> memref<128x128xf32, #tpu.memory_space<hbm>>
      %dma_start3A_48 = arith.constant 0 : i32
      %dma_start3A_49 = tpu.memref_slice %arg5[%add3A_35, %dma_start3A_48] : memref<20224x128xf32, #tpu.memory_space<hbm>> -> memref<128x128xf32, #tpu.memory_space<hbm>>
      %dma_start3A_50 = arith.constant 0 : i32
      %dma_start3A_51 = arith.constant 0 : i32
      %dma_start3A_52 = tpu.memref_slice %arg7[%dma_start3A_50, %dma_start3A_51] : memref<256x128xf32, #tpu.memory_space<vmem>> -> memref<128x128xf32, #tpu.memory_space<vmem>>
      tpu.enqueue_dma source(%dma_start3A_52 : memref<128x128xf32, #tpu.memory_space<vmem>>) target(%dma_start3A_49 : memref<128x128xf32, #tpu.memory_space<hbm>>) target_semaphore(%run_scoped3A : memref<!tpu.dma_semaphore, #tpu.memory_space<semaphore_mem>>)
      %dma_wait3A = arith.constant 0 : i32
      %dma_wait3A_53 = arith.constant 0 : i32
      %dma_wait3A_54 = tpu.memref_slice %arg7[%dma_wait3A, %dma_wait3A_53] : memref<256x128xf32, #tpu.memory_space<vmem>> -> memref<128x128xf32, #tpu.memory_space<vmem>>
      %dma_wait3A_55 = arith.constant 0 : i32
      %dma_wait3A_56 = tpu.memref_slice %arg5[%add3A_35, %dma_wait3A_55] : memref<20224x128xf32, #tpu.memory_space<hbm>> -> memref<128x128xf32, #tpu.memory_space<hbm>>
      %dma_wait3A_57 = arith.constant 0 : i32
      %dma_wait3A_58 = tpu.memref_slice %arg5[%add3A_35, %dma_wait3A_57] : memref<20224x128xf32, #tpu.memory_space<hbm>> -> memref<128x128xf32, #tpu.memory_space<hbm>>
      %dma_wait3A_59 = arith.constant 0 : i32
      %dma_wait3A_60 = arith.constant 0 : i32
      %dma_wait3A_61 = tpu.memref_slice %arg7[%dma_wait3A_59, %dma_wait3A_60] : memref<256x128xf32, #tpu.memory_space<vmem>> -> memref<128x128xf32, #tpu.memory_space<vmem>>
      tpu.wait_dma2 semaphore(%run_scoped3A : memref<!tpu.dma_semaphore, #tpu.memory_space<semaphore_mem>>) src(%dma_wait3A_61 : memref<128x128xf32, #tpu.memory_space<vmem>>) dst(%dma_wait3A_58 : memref<128x128xf32, #tpu.memory_space<hbm>>)
      tpu.yield
    }) : () -> ()
    %add3A_36 = arith.constant 384 : i32
    %add3A_37 = arith.addi %mul3A_2, %add3A_36 : i32
    "tpu.region"() ({
      %run_scoped3A = tpu.sem_alloc : memref<!tpu.dma_semaphore, #tpu.memory_space<semaphore_mem>>
      %dma_start3A = arith.constant 0 : i32
      %dma_start3A_44 = arith.constant 0 : i32
      %dma_start3A_45 = tpu.memref_slice %arg7[%dma_start3A, %dma_start3A_44] : memref<256x128xf32, #tpu.memory_space<vmem>> -> memref<128x128xf32, #tpu.memory_space<vmem>>
      %dma_start3A_46 = arith.constant 0 : i32
      %dma_start3A_47 = tpu.memref_slice %arg8[%add3A_37, %dma_start3A_46] : memref<10112x128xf32, #tpu.memory_space<vmem_shared>> -> memref<128x128xf32, #tpu.memory_space<vmem_shared>>
      %dma_start3A_48 = arith.constant 0 : i32
      %dma_start3A_49 = arith.constant 0 : i32
      %dma_start3A_50 = tpu.memref_slice %arg7[%dma_start3A_48, %dma_start3A_49] : memref<256x128xf32, #tpu.memory_space<vmem>> -> memref<128x128xf32, #tpu.memory_space<vmem>>
      %dma_start3A_51 = arith.constant 0 : i32
      %dma_start3A_52 = tpu.memref_slice %arg8[%add3A_37, %dma_start3A_51] : memref<10112x128xf32, #tpu.memory_space<vmem_shared>> -> memref<128x128xf32, #tpu.memory_space<vmem_shared>>
      tpu.enqueue_dma source(%dma_start3A_52 : memref<128x128xf32, #tpu.memory_space<vmem_shared>>) target(%dma_start3A_50 : memref<128x128xf32, #tpu.memory_space<vmem>>) target_semaphore(%run_scoped3A : memref<!tpu.dma_semaphore, #tpu.memory_space<semaphore_mem>>)
      %dma_wait3A = arith.constant 0 : i32
      %dma_wait3A_53 = arith.constant 0 : i32
      %dma_wait3A_54 = tpu.memref_slice %arg7[%dma_wait3A, %dma_wait3A_53] : memref<256x128xf32, #tpu.memory_space<vmem>> -> memref<128x128xf32, #tpu.memory_space<vmem>>
      %dma_wait3A_55 = arith.constant 0 : i32
      %dma_wait3A_56 = tpu.memref_slice %arg8[%add3A_37, %dma_wait3A_55] : memref<10112x128xf32, #tpu.memory_space<vmem_shared>> -> memref<128x128xf32, #tpu.memory_space<vmem_shared>>
      %dma_wait3A_57 = arith.constant 0 : i32
      %dma_wait3A_58 = arith.constant 0 : i32
      %dma_wait3A_59 = tpu.memref_slice %arg7[%dma_wait3A_57, %dma_wait3A_58] : memref<256x128xf32, #tpu.memory_space<vmem>> -> memref<128x128xf32, #tpu.memory_space<vmem>>
      %dma_wait3A_60 = arith.constant 0 : i32
      %dma_wait3A_61 = tpu.memref_slice %arg8[%add3A_37, %dma_wait3A_60] : memref<10112x128xf32, #tpu.memory_space<vmem_shared>> -> memref<128x128xf32, #tpu.memory_space<vmem_shared>>
      tpu.wait_dma2 semaphore(%run_scoped3A : memref<!tpu.dma_semaphore, #tpu.memory_space<semaphore_mem>>) src(%dma_wait3A_61 : memref<128x128xf32, #tpu.memory_space<vmem_shared>>) dst(%dma_wait3A_59 : memref<128x128xf32, #tpu.memory_space<vmem>>)
      tpu.yield
    }) : () -> ()
    %add3A_38 = arith.constant 384 : i32
    %add3A_39 = arith.addi %add3A_23, %add3A_38 : i32
    "tpu.region"() ({
      %run_scoped3A = tpu.sem_alloc : memref<!tpu.dma_semaphore, #tpu.memory_space<semaphore_mem>>
      %dma_start3A = arith.constant 0 : i32
      %dma_start3A_44 = arith.constant 0 : i32
      %dma_start3A_45 = tpu.memref_slice %arg7[%dma_start3A, %dma_start3A_44] : memref<256x128xf32, #tpu.memory_space<vmem>> -> memref<128x128xf32, #tpu.memory_space<vmem>>
      %dma_start3A_46 = arith.constant 0 : i32
      %dma_start3A_47 = tpu.memref_slice %arg5[%add3A_39, %dma_start3A_46] : memref<20224x128xf32, #tpu.memory_space<hbm>> -> memref<128x128xf32, #tpu.memory_space<hbm>>
      %dma_start3A_48 = arith.constant 0 : i32
      %dma_start3A_49 = tpu.memref_slice %arg5[%add3A_39, %dma_start3A_48] : memref<20224x128xf32, #tpu.memory_space<hbm>> -> memref<128x128xf32, #tpu.memory_space<hbm>>
      %dma_start3A_50 = arith.constant 0 : i32
      %dma_start3A_51 = arith.constant 0 : i32
      %dma_start3A_52 = tpu.memref_slice %arg7[%dma_start3A_50, %dma_start3A_51] : memref<256x128xf32, #tpu.memory_space<vmem>> -> memref<128x128xf32, #tpu.memory_space<vmem>>
      tpu.enqueue_dma source(%dma_start3A_52 : memref<128x128xf32, #tpu.memory_space<vmem>>) target(%dma_start3A_49 : memref<128x128xf32, #tpu.memory_space<hbm>>) target_semaphore(%run_scoped3A : memref<!tpu.dma_semaphore, #tpu.memory_space<semaphore_mem>>)
      %dma_wait3A = arith.constant 0 : i32
      %dma_wait3A_53 = arith.constant 0 : i32
      %dma_wait3A_54 = tpu.memref_slice %arg7[%dma_wait3A, %dma_wait3A_53] : memref<256x128xf32, #tpu.memory_space<vmem>> -> memref<128x128xf32, #tpu.memory_space<vmem>>
      %dma_wait3A_55 = arith.constant 0 : i32
      %dma_wait3A_56 = tpu.memref_slice %arg5[%add3A_39, %dma_wait3A_55] : memref<20224x128xf32, #tpu.memory_space<hbm>> -> memref<128x128xf32, #tpu.memory_space<hbm>>
      %dma_wait3A_57 = arith.constant 0 : i32
      %dma_wait3A_58 = tpu.memref_slice %arg5[%add3A_39, %dma_wait3A_57] : memref<20224x128xf32, #tpu.memory_space<hbm>> -> memref<128x128xf32, #tpu.memory_space<hbm>>
      %dma_wait3A_59 = arith.constant 0 : i32
      %dma_wait3A_60 = arith.constant 0 : i32
      %dma_wait3A_61 = tpu.memref_slice %arg7[%dma_wait3A_59, %dma_wait3A_60] : memref<256x128xf32, #tpu.memory_space<vmem>> -> memref<128x128xf32, #tpu.memory_space<vmem>>
      tpu.wait_dma2 semaphore(%run_scoped3A : memref<!tpu.dma_semaphore, #tpu.memory_space<semaphore_mem>>) src(%dma_wait3A_61 : memref<128x128xf32, #tpu.memory_space<vmem>>) dst(%dma_wait3A_58 : memref<128x128xf32, #tpu.memory_space<hbm>>)
      tpu.yield
    }) : () -> ()
    %add3A_40 = arith.constant 512 : i32
    %add3A_41 = arith.addi %mul3A_2, %add3A_40 : i32
    "tpu.region"() ({
      %run_scoped3A = tpu.sem_alloc : memref<!tpu.dma_semaphore, #tpu.memory_space<semaphore_mem>>
      %dma_start3A = arith.constant 0 : i32
      %dma_start3A_44 = arith.constant 0 : i32
      %dma_start3A_45 = tpu.memref_slice %arg7[%dma_start3A, %dma_start3A_44] : memref<256x128xf32, #tpu.memory_space<vmem>> -> memref<120x128xf32, #tpu.memory_space<vmem>>
      %dma_start3A_46 = arith.constant 0 : i32
      %dma_start3A_47 = tpu.memref_slice %arg8[%add3A_41, %dma_start3A_46] : memref<10112x128xf32, #tpu.memory_space<vmem_shared>> -> memref<120x128xf32, #tpu.memory_space<vmem_shared>>
      %dma_start3A_48 = arith.constant 0 : i32
      %dma_start3A_49 = arith.constant 0 : i32
      %dma_start3A_50 = tpu.memref_slice %arg7[%dma_start3A_48, %dma_start3A_49] : memref<256x128xf32, #tpu.memory_space<vmem>> -> memref<120x128xf32, #tpu.memory_space<vmem>>
      %dma_start3A_51 = arith.constant 0 : i32
      %dma_start3A_52 = tpu.memref_slice %arg8[%add3A_41, %dma_start3A_51] : memref<10112x128xf32, #tpu.memory_space<vmem_shared>> -> memref<120x128xf32, #tpu.memory_space<vmem_shared>>
      tpu.enqueue_dma source(%dma_start3A_52 : memref<120x128xf32, #tpu.memory_space<vmem_shared>>) target(%dma_start3A_50 : memref<120x128xf32, #tpu.memory_space<vmem>>) target_semaphore(%run_scoped3A : memref<!tpu.dma_semaphore, #tpu.memory_space<semaphore_mem>>)
      %dma_wait3A = arith.constant 0 : i32
      %dma_wait3A_53 = arith.constant 0 : i32
      %dma_wait3A_54 = tpu.memref_slice %arg7[%dma_wait3A, %dma_wait3A_53] : memref<256x128xf32, #tpu.memory_space<vmem>> -> memref<120x128xf32, #tpu.memory_space<vmem>>
      %dma_wait3A_55 = arith.constant 0 : i32
      %dma_wait3A_56 = tpu.memref_slice %arg8[%add3A_41, %dma_wait3A_55] : memref<10112x128xf32, #tpu.memory_space<vmem_shared>> -> memref<120x128xf32, #tpu.memory_space<vmem_shared>>
      %dma_wait3A_57 = arith.constant 0 : i32
      %dma_wait3A_58 = arith.constant 0 : i32
      %dma_wait3A_59 = tpu.memref_slice %arg7[%dma_wait3A_57, %dma_wait3A_58] : memref<256x128xf32, #tpu.memory_space<vmem>> -> memref<120x128xf32, #tpu.memory_space<vmem>>
      %dma_wait3A_60 = arith.constant 0 : i32
      %dma_wait3A_61 = tpu.memref_slice %arg8[%add3A_41, %dma_wait3A_60] : memref<10112x128xf32, #tpu.memory_space<vmem_shared>> -> memref<120x128xf32, #tpu.memory_space<vmem_shared>>
      tpu.wait_dma2 semaphore(%run_scoped3A : memref<!tpu.dma_semaphore, #tpu.memory_space<semaphore_mem>>) src(%dma_wait3A_61 : memref<120x128xf32, #tpu.memory_space<vmem_shared>>) dst(%dma_wait3A_59 : memref<120x128xf32, #tpu.memory_space<vmem>>)
      tpu.yield
    }) : () -> ()
    %add3A_42 = arith.constant 512 : i32
    %add3A_43 = arith.addi %add3A_23, %add3A_42 : i32
    "tpu.region"() ({
      %run_scoped3A = tpu.sem_alloc : memref<!tpu.dma_semaphore, #tpu.memory_space<semaphore_mem>>
      %dma_start3A = arith.constant 0 : i32
      %dma_start3A_44 = arith.constant 0 : i32
      %dma_start3A_45 = tpu.memref_slice %arg7[%dma_start3A, %dma_start3A_44] : memref<256x128xf32, #tpu.memory_space<vmem>> -> memref<120x128xf32, #tpu.memory_space<vmem>>
      %dma_start3A_46 = arith.constant 0 : i32
      %dma_start3A_47 = tpu.memref_slice %arg5[%add3A_43, %dma_start3A_46] : memref<20224x128xf32, #tpu.memory_space<hbm>> -> memref<120x128xf32, #tpu.memory_space<hbm>>
      %dma_start3A_48 = arith.constant 0 : i32
      %dma_start3A_49 = tpu.memref_slice %arg5[%add3A_43, %dma_start3A_48] : memref<20224x128xf32, #tpu.memory_space<hbm>> -> memref<120x128xf32, #tpu.memory_space<hbm>>
      %dma_start3A_50 = arith.constant 0 : i32
      %dma_start3A_51 = arith.constant 0 : i32
      %dma_start3A_52 = tpu.memref_slice %arg7[%dma_start3A_50, %dma_start3A_51] : memref<256x128xf32, #tpu.memory_space<vmem>> -> memref<120x128xf32, #tpu.memory_space<vmem>>
      tpu.enqueue_dma source(%dma_start3A_52 : memref<120x128xf32, #tpu.memory_space<vmem>>) target(%dma_start3A_49 : memref<120x128xf32, #tpu.memory_space<hbm>>) target_semaphore(%run_scoped3A : memref<!tpu.dma_semaphore, #tpu.memory_space<semaphore_mem>>)
      %dma_wait3A = arith.constant 0 : i32
      %dma_wait3A_53 = arith.constant 0 : i32
      %dma_wait3A_54 = tpu.memref_slice %arg7[%dma_wait3A, %dma_wait3A_53] : memref<256x128xf32, #tpu.memory_space<vmem>> -> memref<120x128xf32, #tpu.memory_space<vmem>>
      %dma_wait3A_55 = arith.constant 0 : i32
      %dma_wait3A_56 = tpu.memref_slice %arg5[%add3A_43, %dma_wait3A_55] : memref<20224x128xf32, #tpu.memory_space<hbm>> -> memref<120x128xf32, #tpu.memory_space<hbm>>
      %dma_wait3A_57 = arith.constant 0 : i32
      %dma_wait3A_58 = tpu.memref_slice %arg5[%add3A_43, %dma_wait3A_57] : memref<20224x128xf32, #tpu.memory_space<hbm>> -> memref<120x128xf32, #tpu.memory_space<hbm>>
      %dma_wait3A_59 = arith.constant 0 : i32
      %dma_wait3A_60 = arith.constant 0 : i32
      %dma_wait3A_61 = tpu.memref_slice %arg7[%dma_wait3A_59, %dma_wait3A_60] : memref<256x128xf32, #tpu.memory_space<vmem>> -> memref<120x128xf32, #tpu.memory_space<vmem>>
      tpu.wait_dma2 semaphore(%run_scoped3A : memref<!tpu.dma_semaphore, #tpu.memory_space<semaphore_mem>>) src(%dma_wait3A_61 : memref<120x128xf32, #tpu.memory_space<vmem>>) dst(%dma_wait3A_58 : memref<120x128xf32, #tpu.memory_space<hbm>>)
      tpu.yield
    }) : () -> ()
    return
  }
}

module attributes {stable_mosaic.version = 14 : i64} {
  func.func @_mlp_body(%arg0: memref<10000x128xf32, #tpu.memory_space<vmem>>, %arg1: memref<2x10112x128xf32, #tpu.memory_space<vmem>>, %arg2: memref<128x128xf32, #tpu.memory_space<vmem>>, %arg3: memref<128x128xf32, #tpu.memory_space<vmem>>, %arg4: memref<1x128xf32, #tpu.memory_space<vmem>>, %arg5: memref<1x128xf32, #tpu.memory_space<vmem>>, %arg6: memref<1x128xf32, #tpu.memory_space<vmem>>, %arg7: memref<128x128xf32, #tpu.memory_space<vmem>>, %arg8: memref<128x128xf32, #tpu.memory_space<vmem>>, %arg9: memref<1x128xf32, #tpu.memory_space<vmem>>, %arg10: memref<1x128xf32, #tpu.memory_space<vmem>>, %arg11: memref<1x128xf32, #tpu.memory_space<vmem>>, %arg12: memref<10000x128xf32, #tpu.memory_space<vmem>>) attributes {dimension_semantics = [], scalar_prefetch = 0 : i64, scratch_operands = 0 : i64, tpu.core_type = #tpu.core_type<tc>} {
    %get3A = arith.constant 0 : index
    %get3A_0 = arith.constant 0 : index
    %get3A_1 = vector.load %arg0[%get3A, %get3A_0] : memref<10000x128xf32, #tpu.memory_space<vmem>>, vector<10000x128xf32>
    %get3A_2 = arith.constant 0 : index
    %get3A_3 = arith.constant 0 : index
    %get3A_4 = arith.constant 0 : index
    %get3A_5 = vector.load %arg1[%get3A_2, %get3A_3, %get3A_4] : memref<2x10112x128xf32, #tpu.memory_space<vmem>>, vector<1x10000x128xf32>
    %get3A_6 = vector.shape_cast %get3A_5 : vector<1x10000x128xf32> to vector<10000x128xf32>
    %add3A = arith.addf %get3A_1, %get3A_6 : vector<10000x128xf32>
    %get3A_7 = arith.constant 1 : index
    %get3A_8 = arith.constant 0 : index
    %get3A_9 = arith.constant 0 : index
    %get3A_10 = vector.load %arg1[%get3A_7, %get3A_8, %get3A_9] : memref<2x10112x128xf32, #tpu.memory_space<vmem>>, vector<1x10000x128xf32>
    %get3A_11 = vector.shape_cast %get3A_10 : vector<1x10000x128xf32> to vector<10000x128xf32>
    %add3A_12 = arith.addf %add3A, %get3A_11 : vector<10000x128xf32>
    %get3A_13 = arith.constant 0 : index
    %get3A_14 = arith.constant 0 : index
    %get3A_15 = vector.load %arg10[%get3A_13, %get3A_14] : memref<1x128xf32, #tpu.memory_space<vmem>>, vector<1x128xf32>
    %get3A_16 = arith.constant 0 : index
    %get3A_17 = arith.constant 0 : index
    %get3A_18 = vector.load %arg2[%get3A_16, %get3A_17] : memref<128x128xf32, #tpu.memory_space<vmem>>, vector<128x128xf32>
    %dot_general3A = arith.constant dense<0.000000e+00> : vector<1x128xf32>
    %dot_general3A_19 = tpu.matmul %get3A_15, %get3A_18, %dot_general3A {dimension_numbers = #tpu.dot_dimension_numbers<[1], [0], [0], [1], [0, 0, 1, 1], [], []>, precision = #tpu.contract_precision<fp32>, transpose_lhs_hint = false} : vector<1x128xf32>, vector<128x128xf32>, vector<1x128xf32> -> vector<1x128xf32>
    %mul3A = arith.mulf %dot_general3A_19, %dot_general3A_19 : vector<1x128xf32>
    %reduce_sum3A = vector.shape_cast %mul3A : vector<1x128xf32> to vector<1x1x128xf32>
    %reduce_sum3A_20 = arith.constant dense<0.000000e+00> : vector<1xf32>
    %reduce_sum3A_21 = vector.multi_reduction <add>, %reduce_sum3A, %reduce_sum3A_20 [1, 2] : vector<1x1x128xf32> to vector<1xf32>
    %reduce_sum3A_22 = vector.shape_cast %reduce_sum3A_21 : vector<1xf32> to vector<1x1x1xf32>
    %reduce_sum3A_23 = vector.extract %reduce_sum3A_22[0, 0, 0] : f32 from vector<1x1x1xf32>
    %sqrt3A = math.sqrt %reduce_sum3A_23 : f32
    %add3A_24 = arith.constant 9.99999996E-13 : f32
    %add3A_25 = arith.addf %sqrt3A, %add3A_24 : f32
    %div3A = vector.broadcast %add3A_25 : f32 to vector<1x128xf32>
    %div3A_26 = arith.divf %dot_general3A_19, %div3A : vector<1x128xf32>
    %get3A_27 = arith.constant 0 : index
    %get3A_28 = arith.constant 0 : index
    %get3A_29 = vector.load %arg3[%get3A_27, %get3A_28] : memref<128x128xf32, #tpu.memory_space<vmem>>, vector<128x128xf32>
    %dot_general3A_30 = arith.constant dense<0.000000e+00> : vector<1x128xf32>
    %dot_general3A_31 = tpu.matmul %div3A_26, %get3A_29, %dot_general3A_30 {dimension_numbers = #tpu.dot_dimension_numbers<[1], [0], [0], [1], [0, 0, 1, 1], [], []>, precision = #tpu.contract_precision<fp32>, transpose_lhs_hint = false} : vector<1x128xf32>, vector<128x128xf32>, vector<1x128xf32> -> vector<1x128xf32>
    %mul3A_32 = arith.mulf %dot_general3A_31, %dot_general3A_31 : vector<1x128xf32>
    %reduce_sum3A_33 = vector.shape_cast %mul3A_32 : vector<1x128xf32> to vector<1x1x128xf32>
    %reduce_sum3A_34 = arith.constant dense<0.000000e+00> : vector<1xf32>
    %reduce_sum3A_35 = vector.multi_reduction <add>, %reduce_sum3A_33, %reduce_sum3A_34 [1, 2] : vector<1x1x128xf32> to vector<1xf32>
    %reduce_sum3A_36 = vector.shape_cast %reduce_sum3A_35 : vector<1xf32> to vector<1x1x1xf32>
    %reduce_sum3A_37 = vector.extract %reduce_sum3A_36[0, 0, 0] : f32 from vector<1x1x1xf32>
    %mul3A_38 = arith.mulf %dot_general3A_31, %dot_general3A_31 : vector<1x128xf32>
    %reduce_sum3A_39 = vector.shape_cast %mul3A_38 : vector<1x128xf32> to vector<1x1x128xf32>
    %reduce_sum3A_40 = arith.constant dense<0.000000e+00> : vector<1xf32>
    %reduce_sum3A_41 = vector.multi_reduction <add>, %reduce_sum3A_39, %reduce_sum3A_40 [1, 2] : vector<1x1x128xf32> to vector<1xf32>
    %reduce_sum3A_42 = vector.shape_cast %reduce_sum3A_41 : vector<1xf32> to vector<1x1x1xf32>
    %reduce_sum3A_43 = vector.extract %reduce_sum3A_42[0, 0, 0] : f32 from vector<1x1x1xf32>
    %sqrt3A_44 = math.sqrt %reduce_sum3A_43 : f32
    %add3A_45 = arith.constant 9.99999996E-13 : f32
    %add3A_46 = arith.addf %sqrt3A_44, %add3A_45 : f32
    %div3A_47 = arith.divf %reduce_sum3A_37, %add3A_46 : f32
    %get3A_48 = arith.constant 0 : index
    %get3A_49 = arith.constant 0 : index
    %get3A_50 = vector.load %arg3[%get3A_48, %get3A_49] : memref<128x128xf32, #tpu.memory_space<vmem>>, vector<128x128xf32>
    %dot_general3A_51 = arith.constant dense<0.000000e+00> : vector<10000x128xf32>
    %dot_general3A_52 = tpu.matmul %add3A_12, %get3A_50, %dot_general3A_51 {dimension_numbers = #tpu.dot_dimension_numbers<[1], [0], [0], [1], [0, 0, 1, 1], [], []>, precision = #tpu.contract_precision<fp32>, transpose_lhs_hint = false} : vector<10000x128xf32>, vector<128x128xf32>, vector<10000x128xf32> -> vector<10000x128xf32>
    %div3A_53 = vector.broadcast %div3A_47 : f32 to vector<10000x128xf32>
    %div3A_54 = arith.divf %dot_general3A_52, %div3A_53 : vector<10000x128xf32>
    %get3A_55 = arith.constant 0 : index
    %get3A_56 = arith.constant 0 : index
    %get3A_57 = vector.load %arg4[%get3A_55, %get3A_56] : memref<1x128xf32, #tpu.memory_space<vmem>>, vector<1x128xf32>
    %add3A_58 = vector.broadcast %get3A_57 : vector<1x128xf32> to vector<10000x128xf32>
    %add3A_59 = arith.addf %div3A_54, %add3A_58 : vector<10000x128xf32>
    %max3A = arith.constant 0.000000e+00 : f32
    %max3A_60 = vector.broadcast %max3A : f32 to vector<10000x128xf32>
    %max3A_61 = arith.maximumf %add3A_59, %max3A_60 : vector<10000x128xf32>
    %reduce_sum3A_62 = arith.constant dense<0.000000e+00> : vector<128xf32>
    %reduce_sum3A_63 = vector.multi_reduction <add>, %max3A_61, %reduce_sum3A_62 [0] : vector<10000x128xf32> to vector<128xf32>
    %broadcast_in_dim3A = vector.shape_cast %reduce_sum3A_63 : vector<128xf32> to vector<1x128xf32>
    %div3A_64 = arith.constant 1.000000e+04 : f32
    %div3A_65 = vector.broadcast %div3A_64 : f32 to vector<1x128xf32>
    %div3A_66 = arith.divf %broadcast_in_dim3A, %div3A_65 : vector<1x128xf32>
    %sub3A = vector.broadcast %div3A_66 : vector<1x128xf32> to vector<10000x128xf32>
    %sub3A_67 = arith.subf %max3A_61, %sub3A : vector<10000x128xf32>
    %sub3A_68 = vector.broadcast %div3A_66 : vector<1x128xf32> to vector<10000x128xf32>
    %sub3A_69 = arith.subf %max3A_61, %sub3A_68 : vector<10000x128xf32>
    %mul3A_70 = arith.mulf %sub3A_67, %sub3A_69 : vector<10000x128xf32>
    %reduce_sum3A_71 = arith.constant dense<0.000000e+00> : vector<128xf32>
    %reduce_sum3A_72 = vector.multi_reduction <add>, %mul3A_70, %reduce_sum3A_71 [0] : vector<10000x128xf32> to vector<128xf32>
    %broadcast_in_dim3A_73 = vector.shape_cast %reduce_sum3A_72 : vector<128xf32> to vector<1x128xf32>
    %div3A_74 = arith.constant 1.000000e+04 : f32
    %div3A_75 = vector.broadcast %div3A_74 : f32 to vector<1x128xf32>
    %div3A_76 = arith.divf %broadcast_in_dim3A_73, %div3A_75 : vector<1x128xf32>
    %sub3A_77 = vector.broadcast %div3A_66 : vector<1x128xf32> to vector<10000x128xf32>
    %sub3A_78 = arith.subf %max3A_61, %sub3A_77 : vector<10000x128xf32>
    %add3A_79 = arith.constant 9.99999974E-6 : f32
    %add3A_80 = vector.broadcast %add3A_79 : f32 to vector<1x128xf32>
    %add3A_81 = arith.addf %div3A_76, %add3A_80 : vector<1x128xf32>
    %sqrt3A_82 = math.sqrt %add3A_81 : vector<1x128xf32>
    %div3A_83 = vector.broadcast %sqrt3A_82 : vector<1x128xf32> to vector<10000x128xf32>
    %div3A_84 = arith.divf %sub3A_78, %div3A_83 : vector<10000x128xf32>
    %get3A_85 = arith.constant 0 : index
    %get3A_86 = arith.constant 0 : index
    %get3A_87 = vector.load %arg5[%get3A_85, %get3A_86] : memref<1x128xf32, #tpu.memory_space<vmem>>, vector<1x128xf32>
    %mul3A_88 = vector.broadcast %get3A_87 : vector<1x128xf32> to vector<10000x128xf32>
    %mul3A_89 = arith.mulf %div3A_84, %mul3A_88 : vector<10000x128xf32>
    %get3A_90 = arith.constant 0 : index
    %get3A_91 = arith.constant 0 : index
    %get3A_92 = vector.load %arg6[%get3A_90, %get3A_91] : memref<1x128xf32, #tpu.memory_space<vmem>>, vector<1x128xf32>
    %add3A_93 = vector.broadcast %get3A_92 : vector<1x128xf32> to vector<10000x128xf32>
    %add3A_94 = arith.addf %mul3A_89, %add3A_93 : vector<10000x128xf32>
    %get3A_95 = arith.constant 0 : index
    %get3A_96 = arith.constant 0 : index
    %get3A_97 = vector.load %arg11[%get3A_95, %get3A_96] : memref<1x128xf32, #tpu.memory_space<vmem>>, vector<1x128xf32>
    %get3A_98 = arith.constant 0 : index
    %get3A_99 = arith.constant 0 : index
    %get3A_100 = vector.load %arg7[%get3A_98, %get3A_99] : memref<128x128xf32, #tpu.memory_space<vmem>>, vector<128x128xf32>
    %dot_general3A_101 = arith.constant dense<0.000000e+00> : vector<1x128xf32>
    %dot_general3A_102 = tpu.matmul %get3A_97, %get3A_100, %dot_general3A_101 {dimension_numbers = #tpu.dot_dimension_numbers<[1], [0], [0], [1], [0, 0, 1, 1], [], []>, precision = #tpu.contract_precision<fp32>, transpose_lhs_hint = false} : vector<1x128xf32>, vector<128x128xf32>, vector<1x128xf32> -> vector<1x128xf32>
    %mul3A_103 = arith.mulf %dot_general3A_102, %dot_general3A_102 : vector<1x128xf32>
    %reduce_sum3A_104 = vector.shape_cast %mul3A_103 : vector<1x128xf32> to vector<1x1x128xf32>
    %reduce_sum3A_105 = arith.constant dense<0.000000e+00> : vector<1xf32>
    %reduce_sum3A_106 = vector.multi_reduction <add>, %reduce_sum3A_104, %reduce_sum3A_105 [1, 2] : vector<1x1x128xf32> to vector<1xf32>
    %reduce_sum3A_107 = vector.shape_cast %reduce_sum3A_106 : vector<1xf32> to vector<1x1x1xf32>
    %reduce_sum3A_108 = vector.extract %reduce_sum3A_107[0, 0, 0] : f32 from vector<1x1x1xf32>
    %sqrt3A_109 = math.sqrt %reduce_sum3A_108 : f32
    %add3A_110 = arith.constant 9.99999996E-13 : f32
    %add3A_111 = arith.addf %sqrt3A_109, %add3A_110 : f32
    %div3A_112 = vector.broadcast %add3A_111 : f32 to vector<1x128xf32>
    %div3A_113 = arith.divf %dot_general3A_102, %div3A_112 : vector<1x128xf32>
    %get3A_114 = arith.constant 0 : index
    %get3A_115 = arith.constant 0 : index
    %get3A_116 = vector.load %arg8[%get3A_114, %get3A_115] : memref<128x128xf32, #tpu.memory_space<vmem>>, vector<128x128xf32>
    %dot_general3A_117 = arith.constant dense<0.000000e+00> : vector<1x128xf32>
    %dot_general3A_118 = tpu.matmul %div3A_113, %get3A_116, %dot_general3A_117 {dimension_numbers = #tpu.dot_dimension_numbers<[1], [0], [0], [1], [0, 0, 1, 1], [], []>, precision = #tpu.contract_precision<fp32>, transpose_lhs_hint = false} : vector<1x128xf32>, vector<128x128xf32>, vector<1x128xf32> -> vector<1x128xf32>
    %mul3A_119 = arith.mulf %dot_general3A_118, %dot_general3A_118 : vector<1x128xf32>
    %reduce_sum3A_120 = vector.shape_cast %mul3A_119 : vector<1x128xf32> to vector<1x1x128xf32>
    %reduce_sum3A_121 = arith.constant dense<0.000000e+00> : vector<1xf32>
    %reduce_sum3A_122 = vector.multi_reduction <add>, %reduce_sum3A_120, %reduce_sum3A_121 [1, 2] : vector<1x1x128xf32> to vector<1xf32>
    %reduce_sum3A_123 = vector.shape_cast %reduce_sum3A_122 : vector<1xf32> to vector<1x1x1xf32>
    %reduce_sum3A_124 = vector.extract %reduce_sum3A_123[0, 0, 0] : f32 from vector<1x1x1xf32>
    %mul3A_125 = arith.mulf %dot_general3A_118, %dot_general3A_118 : vector<1x128xf32>
    %reduce_sum3A_126 = vector.shape_cast %mul3A_125 : vector<1x128xf32> to vector<1x1x128xf32>
    %reduce_sum3A_127 = arith.constant dense<0.000000e+00> : vector<1xf32>
    %reduce_sum3A_128 = vector.multi_reduction <add>, %reduce_sum3A_126, %reduce_sum3A_127 [1, 2] : vector<1x1x128xf32> to vector<1xf32>
    %reduce_sum3A_129 = vector.shape_cast %reduce_sum3A_128 : vector<1xf32> to vector<1x1x1xf32>
    %reduce_sum3A_130 = vector.extract %reduce_sum3A_129[0, 0, 0] : f32 from vector<1x1x1xf32>
    %sqrt3A_131 = math.sqrt %reduce_sum3A_130 : f32
    %add3A_132 = arith.constant 9.99999996E-13 : f32
    %add3A_133 = arith.addf %sqrt3A_131, %add3A_132 : f32
    %div3A_134 = arith.divf %reduce_sum3A_124, %add3A_133 : f32
    %get3A_135 = arith.constant 0 : index
    %get3A_136 = arith.constant 0 : index
    %get3A_137 = vector.load %arg8[%get3A_135, %get3A_136] : memref<128x128xf32, #tpu.memory_space<vmem>>, vector<128x128xf32>
    %dot_general3A_138 = arith.constant dense<0.000000e+00> : vector<10000x128xf32>
    %dot_general3A_139 = tpu.matmul %add3A_94, %get3A_137, %dot_general3A_138 {dimension_numbers = #tpu.dot_dimension_numbers<[1], [0], [0], [1], [0, 0, 1, 1], [], []>, precision = #tpu.contract_precision<fp32>, transpose_lhs_hint = false} : vector<10000x128xf32>, vector<128x128xf32>, vector<10000x128xf32> -> vector<10000x128xf32>
    %div3A_140 = vector.broadcast %div3A_134 : f32 to vector<10000x128xf32>
    %div3A_141 = arith.divf %dot_general3A_139, %div3A_140 : vector<10000x128xf32>
    %get3A_142 = arith.constant 0 : index
    %get3A_143 = arith.constant 0 : index
    %get3A_144 = vector.load %arg9[%get3A_142, %get3A_143] : memref<1x128xf32, #tpu.memory_space<vmem>>, vector<1x128xf32>
    %add3A_145 = vector.broadcast %get3A_144 : vector<1x128xf32> to vector<10000x128xf32>
    %add3A_146 = arith.addf %div3A_141, %add3A_145 : vector<10000x128xf32>
    %swap3A = arith.constant 0 : index
    %swap3A_147 = arith.constant 0 : index
    %swap3A_148 = vector.load %arg12[%swap3A, %swap3A_147] : memref<10000x128xf32, #tpu.memory_space<vmem>>, vector<10000x128xf32>
    tpu.vector_store %arg12[%swap3A, %swap3A_147], %add3A_146 {strides = array<i32>} : memref<10000x128xf32, #tpu.memory_space<vmem>>, vector<10000x128xf32>,
    return
  }
}

</mosaic_0001>

<sc_bundles>
// kernel: kernel.5.cloned.1.call-start
scs
__scs_entry_jumppad:
0x0: {  	(pc) =	sbr.rel $0x88, $3  }
0x1: {  	(tag) =	ssettag $0x0;
	lr =	simm.s32 $0x1  }
0x2: {  	[smem:$0x3F97] =	sst lr;
	_ =	strace $0xD0000000  }
0x3: {  	_ = 	snop  }
0x4: {  	_ = 	snop  }
0x5: {  	_ = 	snop  }
0x6: {  	_ = 	snop  }
0x7: {  	_ = 	snop  }
__scs_overlays_trampoline_lowered:
0x8: {  	[smem:$0x3FA6] =	sst s0  }
0x9: {  	[smem:$0x3FA7] =	sst s1  }
0xa: {  	[smem:$0x3FA8] =	sst s2  }
0xb: {  	[smem:$0x3FA9] =	sst s3  }
0xc: {  	[smem:$0x3FAA] =	sst s4  }
0xd: {  	[smem:$0x3FAB] =	sst s5  }
0xe: {  	[smem:$0x3FAC] =	sst s6  }
0xf: {  	[smem:$0x3FAD] =	sst s7  }
0x10: {  	[smem:$0x3FAE] =	sst s8  }
0x11: {  	[smem:$0x3FAF] =	sst s9;
	s0 =	simm.s32 @!p0 $0x0  }
0x12: {  	s1 =	sld [smem:$0x3F95];
	s0 =	simm.s32 @p0 $0x1  }
0x13: {  	[smem:$0x3FB0] =	sst s0;
	s0 =	simm.s32 @!p1 $0x0  }
0x14: {  	s2 =	sld [smem:$0x3F94];
	s0 =	simm.s32 @p1 $0x1  }
0x15: {  	[smem:$0x3FB1] =	sst s0;
	s0 =	simm.s32 @!p2 $0x0  }
0x16: {  	s3 =	sld [smem:$0x3FDB];
	s0 =	simm.s32 @p2 $0x1  }
0x17: {  	s4 =	simm.s32 $0x1BF5;
	[smem:$0x3FB3] =	sst s0  }
0x18: {  	s0 =	sld [smem:$0x3F96];
	_ =	swait.ge [sflag:s4], $0x0  }
0x19: {  	s7 =	sld [smem:$0x3F97]  }
0x1a: {  	s8 =	sadd.s32 $0xFFFFE003, lr  }
0x1b: {  	s9 =	sadd.s32 $0xFFFFFEF7, lr;
	s5 =	simm.s32 $0xFFFFFFFF;
	p2 =	slt.u32 s8, $0xFFFFF086  }
0x1c: {  	p1 =	slt.u32 s9, $0xF7A;
	s5 =	simm.s32 @!p2 $0x0  }
0x1d: {  	s5 =	simm.s32 @p1 $0x1;
	p0 =	seq.s32 s7, s2  }
0x1e: {  	s7 =	smul.u32 @!p0 $0xF7A, s2;
	p2 =	seq.s32 @!p0 s5, $0x0  }
0x1f: {  	s9 =	smul.u32 $0xF7A, s1;
	s8 =	simm.s32 @!p0 $0x1BF5;
	p2 =	por !p2, p0  }
0x20: {  	[sflag:s8] =	ssyncset.s32 @!p0 $0xFFFFF086;
	s6 =	sadd.s32 @!p0 s3, s7;
	s7 =	simm.s32 @!p0 $0x108  }
0x21: {  	s3 =	sadd.s32 s3, s9;
	s6 =	sadd.s32 @!p0 $0x88, s6;
	s7 =	simm.s32 @p2 $0x1082  }
0x22: {  	[simem:s7], [sflag:s8] =	dma.local @!p0 [hbm:s6], $0xF7A  }
0x23: {  	s9 =	sor.u32 $0xD0000000, s2;
	s6 =	simm.s32 $0x108;
	_ =	swait.ge @!p0 [sflag:s8], $0x0  }
0x24: {  	s3 =	sadd.s32 $0x88, s3;
	s6 =	simm.s32 @!p1 $0x1082;
	[sflag:s4] =	ssyncset.s32 $0xFFFFF086  }
0x25: {  	[simem:s6], [sflag:s4] =	dma.local [hbm:s3], $0xF7A  }
0x26: {  	[smem:$0x3F97] =	sst s1;
	(tag) =	ssettag s2;
	_ =	strace s9  }
0x27: {  	s1 =	sld [smem:$0x3FA7]  }
0x28: {  	s2 =	sld [smem:$0x3FA8]  }
0x29: {  	s4 =	sld [smem:$0x3FAA]  }
0x2a: {  	p0 =	seq.s32 s5, $0x0;
	s5 =	sld [smem:$0x3FAB]  }
0x2b: {  	s6 =	sld [smem:$0x3FAC]  }
0x2c: {  	s7 =	sld [smem:$0x3FAD]  }
0x2d: {  	s3 =	simm.s32 $0x108;
	s8 =	sld [smem:$0x3FAE]  }
0x2e: {  	s3 =	simm.s32 @!p0 $0x1082;
	s9 =	sld [smem:$0x3FAF]  }
0x2f: {  	lr =	sadd.s32 s0, s3;
	s0 =	sld [smem:$0x3FA6]  }
0x30: {  	s3 =	sld [smem:$0x3FA9]  }
0x31: {  	[smem:$0x3FB2] =	sst s10  }
0x32: {  	s10 =	sld [smem:$0x3FB0];
	_ =	sdelay $0x3  }
0x33: {  	p0 =	seq.s32 s10, $0x1;
	s10 =	sld [smem:$0x3FB2];
	_ =	sdelay $0x3  }
0x34: {  	[smem:$0x3FB2] =	sst s10  }
0x35: {  	s10 =	sld [smem:$0x3FB1];
	_ =	sdelay $0x3  }
0x36: {  	p1 =	seq.s32 s10, $0x1;
	s10 =	sld [smem:$0x3FB2];
	_ =	sdelay $0x3  }
0x37: {  	[smem:$0x3FB2] =	sst s10  }
0x38: {  	s10 =	sld [smem:$0x3FB3]  }
0x39: {  	_ = 	snop;
	(pc) =	sbr.ind lr, $3  }
0x3a: {  	_ = 	snop  }
0x3b: {  	_ = 	snop  }
0x3c: {  	p2 =	seq.s32 s10, $0x1;
	s10 =	sld [smem:$0x3FB2]  }
0x3d: {  	_ =	shalt  }
0x3e: {  	_ =	shalt  }
0x3f: {  	_ =	shalt  }
0x40: {  	_ =	shalt  }
0x41: {  	_ =	shalt  }
0x42: {  	_ =	shalt  }
0x43: {  	_ =	shalt  }
0x44: {  	_ =	shalt  }
0x45: {  	_ =	shalt  }
0x46: {  	_ =	shalt  }
0x47: {  	_ =	shalt  }
0x48: {  	_ =	shalt  }
0x49: {  	_ =	shalt  }
0x4a: {  	_ =	shalt  }
0x4b: {  	_ =	shalt  }
0x4c: {  	_ =	shalt  }
0x4d: {  	_ =	shalt  }
0x4e: {  	_ =	shalt  }
0x4f: {  	_ =	shalt  }
0x50: {  	_ =	shalt  }
0x51: {  	_ =	shalt  }
0x52: {  	_ =	shalt  }
0x53: {  	_ =	shalt  }
0x54: {  	_ =	shalt  }
0x55: {  	_ =	shalt  }
0x56: {  	_ =	shalt  }
0x57: {  	_ =	shalt  }
0x58: {  	_ =	shalt  }
0x59: {  	_ =	shalt  }
0x5a: {  	_ =	shalt  }
0x5b: {  	_ =	shalt  }
0x5c: {  	_ =	shalt  }
0x5d: {  	_ =	shalt  }
0x5e: {  	_ =	shalt  }
0x5f: {  	_ =	shalt  }
0x60: {  	_ =	shalt  }
0x61: {  	_ =	shalt  }
0x62: {  	_ =	shalt  }
0x63: {  	_ =	shalt  }
0x64: {  	_ =	shalt  }
0x65: {  	_ =	shalt  }
0x66: {  	_ =	shalt  }
0x67: {  	_ =	shalt  }
0x68: {  	_ =	shalt  }
0x69: {  	_ =	shalt  }
0x6a: {  	_ =	shalt  }
0x6b: {  	_ =	shalt  }
0x6c: {  	_ =	shalt  }
0x6d: {  	_ =	shalt  }
0x6e: {  	_ =	shalt  }
0x6f: {  	_ =	shalt  }
0x70: {  	_ =	shalt  }
0x71: {  	_ =	shalt  }
0x72: {  	_ =	shalt  }
0x73: {  	_ =	shalt  }
0x74: {  	_ =	shalt  }
0x75: {  	_ =	shalt  }
0x76: {  	_ =	shalt  }
0x77: {  	_ =	shalt  }
0x78: {  	_ =	shalt  }
0x79: {  	_ =	shalt  }
0x7a: {  	_ =	shalt  }
0x7b: {  	_ =	shalt  }
0x7c: {  	_ =	shalt  }
0x7d: {  	_ =	shalt  }
0x7e: {  	_ =	shalt  }
0x7f: {  	_ =	shalt  }
0x80: {  	_ =	shalt  }
0x81: {  	_ =	shalt  }
0x82: {  	_ =	shalt  }
0x83: {  	_ =	shalt  }
0x84: {  	_ =	shalt  }
0x85: {  	_ =	shalt  }
0x86: {  	_ =	shalt  }
0x87: {  	_ =	shalt  }
.Lfunc_end0:
.L_simem_size_0:
called_computation_lowered:
.L_overlay_start_0:
0x88: {  	s2 =	sld [smem:$0x3FD9]  }
0x89: {  	s3 =	sld [smem:$0x3FFE];
	_ =	sdelay $0x1  }
0x8a: {  	s1 =	srdreg.scid  }
0x8b: {  	s0 =	sand.u32 $0x1, s1  }
0x8c: {  	s17 =	sshll.u32 s0, $0xA;
	s2 =	sadd.s32 s3, s2  }
0x8d: {  	s2 =	sadd.s32 s2, s17  }
0x8e: {  	[smem:$0x3FBE] =	sst s2  }
0x8f: {  	_ = 	snop  }
0x90: {  	s2 =	sld [smem:$0x3FD0];
	(tm) =	ssettm $0x1  }
0x91: {  	s18 =	sld [smem:$0x3FFB];
	_ =	sdelay $0x3  }
0x92: {  	_ =	strace s18  }
0x93: {  	s3 =	sld [smem:$0x3FFC];
	_ =	sdelay $0x3  }
0x94: {  	_ =	strace s3  }
0x95: {  	s3 =	sld [smem:$0x3FFD];
	_ =	sdelay $0x3  }
0x96: {  	_ =	strace s3  }
0x97: {  	_ =	strace $0x8FFFFFFF  }
0x98: {  	s19 =	sld [smem:$0x3FDB];
	_ =	sdelay $0x1  }
0x99: {  	s4 =	simm.s32 $_scs_section_size  }
0x9a: {  	s5 =	simm.s32 $_size__tile_overlayer_lowered;
	s6 =	simm.s32 $_tile_overlayer_lowered  }
0x9b: {  	s22 =	simm.s32 $0x1BFF;
	s21 =	sshll.u32 s6, $0x1;
	s3 =	sadd.s32 s4, s19  }
0x9c: {  	s7 =	simm.s32 $0x0;
	s20 =	sshll.u32 s5, $0x1;
	s5 =	sadd.s32 s21, s3  }
0x9d: {  	[timem:s7], [sflag:s22] =	dma.local [hbm:s5], s20  }
0x9e: {  	_ =	swait.ge [sflag:s22], s20  }
0x9f: {  	s4 =	ssub.s32 $0x0, s20;
	[sflag:s22] =	ssyncset.done $0x0  }
0xa0: {  	[sflag:s22] =	ssyncadd.s32 s4;
	_ =	sdelay $0x1  }
0xa1: {  	s23 =	simm.s32 $0x1B8B  }
0xa2: {  	_ =	swait.ge [sflag:s23], $0x1  }
0xa3: {  	[sflag:s23] =	ssyncset.done $0x0  }
0xa4: {  	s25 =	simm.s32 $0x1B8E;
	s24 =	sld [smem:$0x3FFE];
	[sflag:s23] =	ssyncadd.s32 $0xFFFFFFFF  }
0xa5: {  	s26 =	simm.s32 $execute0_lowered;
	[smem:$0x3FD2] =	sst s25  }
0xa6: {  	s5 =	sshll.u32 s26, $0x1;
	_ =	strace $0x80000046;
	[dreg:$0x1] =	wrdreg $0xFFFFFFFF  }
0xa7: {  	s28 =	simm.s32 $_size_execute0_lowered;
	s3 =	sadd.s32 s3, s5;
	[dreg:$0x0] =	wrdreg $0x0  }
0xa8: {  	s5 =	sshll.u32 s28, $0x1;
	[dreg:$0x2] =	wrdreg s3  }
0xa9: {  	[dreg:$0x3] =	wrdreg s5  }
0xaa: {  	[dreg:$0x4] =	wrdreg $0xC0  }
0xab: {  	_ =	task [dreg:s7], $0x5FFFF  }
0xac: {  	[dreg:$0x1] =	wrdreg $0xFFFFFFFF  }
0xad: {  	[dreg:$0x0] =	wrdreg $0x60  }
0xae: {  	[dreg:$0x2] =	wrdreg s24  }
0xaf: {  	[dreg:$0x3] =	wrdreg s2  }
0xb0: {  	[dreg:$0x4] =	wrdreg $0xA8000  }
0xb1: {  	[dreg:$0x5] =	wrdreg $0x9  }
0xb2: {  	_ =	task.clear_ibuf [dreg:s7], $0x6FFFF;
	_ =	strace $0x90000046  }
0xb3: {  	s29 =	simm.s32 $0x9;
	_ =	strace $0x80000048  }
0xb4: {  	_ =	swait.ge [sflag:s29], $0x1  }
0xb5: {  	[sflag:s29] =	ssyncadd.s32 $0xFFFFFFFF  }
0xb6: {  	_ =	strace $0x90000048  }
0xb7: {  	_ =	sfence  }
0xb8: {  	s30 =	sld [smem:$0x0];
	_ =	sdelay $0x2  }
0xb9: {  	s31 =	sshll.u32 s1, $0xD;
	s1 =	sshrl.u32 s1, $0x2  }
0xba: {  	s3 =	sand.u32 $0x4000, s31;
	s1 =	sadd.s32 s1, s30  }
0xbb: {  	s0 =	sor.u32 s3, s0;
	s1 =	sshll.u32 s1, $0x11  }
0xbc: {  	s0 =	sor.u32 s1, s0  }
0xbd: {  	s0 =	sadd.s32 $0x8F2B, s0  }
0xbe: {  	[sflag:s0] =	ssyncadd.remote.s32 $0x1  }
0xbf: {  	_ =	sfence.sel $0xFFFF  }
0xc0: {  	[dreg:$0x0] =	wrdreg $0xFFFFFFFF;
	(pc) =	sbr.abs _section_cstart, $3  }
0xc1: {  	[dreg:$0x1] =	wrdreg $0xFFFFFFFF  }
0xc2: {  	_ =	task.clear_ibuf [dreg:s7], $0x2FFFF;
	_ =	strace $0x9FFFFFFF  }
0xc3: {  	(tm) =	ssettm $0x7FFFFFFF  }
tec
execute0_lowered:
.L_overlay_start_1:
0x0: {  	(tag) =	ssettag $0x1  }
0x1: {  	s0 =	rddreg [dreg:$0x0]  }
0x2: {  	s3 =	rddreg [dreg:$0x1]  }
0x3: {  	s1 =	rddreg [dreg:$0x2];
	s2 =	simm.s32 $0x0;
	s4 =	srdreg.scid  }
0x4: {  	s16 =	stileid.u32;
	s17 =	simm.s32 $0x2800;
	s18 =	simm.s32 $0x3  }
0x5: {  	s28 =	simm.s32 $0x1;
	s29 =	simm.s32 $0x2;
	s11 =	smul.u32 $0x278, s16  }
0x6: {  	s30 =	simm.s32 $0x0;
	[smem:$0x7FF] =	sst s2;
	s6 =	smul.u32 $0x2780, s16  }
0x7: {  	s4 =	sand.u32 $0x1, s4;
	s12 =	sadd.s32 $0xB600, s0;
	s8 =	smul.u32 $0x4F000, s16  }
0x8: {  	s5 =	smul.u32 $0x280000, s4;
	s19 =	ssub.s32 $0x2, s4;
	s4 =	sshll.u32 s4, $0x4  }
0x9: {  	_ =	strace $0x80000047;
	s7 =	sshrl.u32 s19, $0x1;
	s4 =	sor.u32 s16, s4  }
0xa: {  	s20 =	sadd.s32 $0x80, s11;
	s21 =	sadd.s32 s12, s6;
	s22 =	sshrl.u32 s8, $0x2  }
0xb: {  	s24 =	sadd.s32 $0x100, s11;
	s13 =	sadd.s32 $0x180, s11;
	s25 =	sadd.s32 $0x200, s11  }
0xc: {  	s16 =	smul.u32 $0x28000, s16;
	s0 =	sadd.s32 s5, s0;
	s15 =	ssub.s32 s19, s7  }
0xd: {  	[dreg:$0x4] =	wrdreg s21;
	s23 =	sshll.u32 s20, $0x4;
	s5 =	sadd.s32 s22, s1  }
0xe: {  	s7 =	sshll.u32 s20, $0x7;
	s9 =	sshll.u32 s24, $0x4;
	s10 =	sshll.u32 s24, $0x7  }
0xf: {  	s14 =	sshll.u32 s13, $0x4;
	s13 =	sshll.u32 s13, $0x7;
	s4 =	smul.u32 $0x2800, s4  }
0x10: {  	s26 =	sshll.u32 s25, $0x4;
	s31 =	sshll.u32 s25, $0x7;
	s19 =	simm.s32 $0x20  }
0x11: {  	s20 =	simm.s32 $0x3800;
	s21 =	simm.s32 $0x4800;
	s22 =	simm.s32 $0x5800  }
0x12: {  	s24 =	simm.s32 $0x7800;
	s25 =	simm.s32 $0x8800;
	[dreg:$0x5] =	wrdreg s5  }
0x13: {  	s6 =	sadd.s32 s12, s23;
	s7 =	sadd.s32 s7, s1;
	s8 =	sadd.s32 s12, s9  }
0x14: {  	s9 =	sadd.s32 s10, s1;
	s10 =	sadd.s32 s12, s14;
	s11 =	sadd.s32 s13, s1  }
0x15: {  	s12 =	sadd.s32 s12, s26;
	s13 =	sadd.s32 s31, s1;
	s0 =	sadd.s32 s16, s0  }
0x16: {  	s15 =	smax.u32 s15, $0x1;
	s23 =	simm.s32 $0x6800;
	s4 =	sshrl.u32 s4, $0x3  }
0x17: {  	s26 =	simm.s32 $0x9800;
	s16 =	sadd.s32 $0x32E00, s0;
	s14 =	sadd.s32 s3, s4  }
.LBB2_1:
0x18: {  	s0 =	rddreg [dreg:$0x4]  }
0x19: {  	[tilespmem:s17], [sflag:$0x3] =	stream.linear.gather [hbm4b:s0+s2], $0x4000, $0x38;
	[tilespmem:$0x1E400] =	vst v63  }
0x1a: {  	_ =	swait.ge [sflag:s18], $0x4000  }
0x1b: {  	[sflag:s18] =	ssyncset.done $0x0  }
0x1c: {  	s3 =	rddreg [dreg:$0x5];
	[sflag:s18] =	ssyncadd.s32 $0xFFFFC000  }
0x1d: {  	[spmem:s3] =	stream.linear.scatter [tilespmem:s17], [sflag:$0x3], $0x4000, $0x38;
	[tilespmem:$0x1E400] =	vst v63  }
0x1e: {  	_ =	swait.ge [sflag:s18], $0x4000  }
0x1f: {  	[sflag:s18] =	ssyncset.done $0x0  }
0x20: {  	[sflag:s18] =	ssyncadd.s32 $0xFFFFC000  }
0x21: {  	[tilespmem:s17], [sflag:$0x3] =	stream.linear.gather [hbm4b:s6+s2], $0x4000, $0x38;
	[tilespmem:$0x1E400] =	vst v63  }
0x22: {  	_ =	swait.ge [sflag:s18], $0x4000  }
0x23: {  	[sflag:s18] =	ssyncset.done $0x0  }
0x24: {  	[sflag:s18] =	ssyncadd.s32 $0xFFFFC000  }
0x25: {  	[spmem:s7] =	stream.linear.scatter [tilespmem:s17], [sflag:$0x3], $0x4000, $0x38;
	[tilespmem:$0x1E400] =	vst v63  }
0x26: {  	_ =	swait.ge [sflag:s18], $0x4000  }
0x27: {  	[sflag:s18] =	ssyncset.done $0x0  }
0x28: {  	[sflag:s18] =	ssyncadd.s32 $0xFFFFC000  }
0x29: {  	[tilespmem:s17], [sflag:$0x3] =	stream.linear.gather [hbm4b:s8+s2], $0x4000, $0x38;
	[tilespmem:$0x1E400] =	vst v63  }
0x2a: {  	_ =	swait.ge [sflag:s18], $0x4000  }
0x2b: {  	[sflag:s18] =	ssyncset.done $0x0  }
0x2c: {  	[sflag:s18] =	ssyncadd.s32 $0xFFFFC000  }
0x2d: {  	[spmem:s9] =	stream.linear.scatter [tilespmem:s17], [sflag:$0x3], $0x4000, $0x38;
	[tilespmem:$0x1E400] =	vst v63  }
0x2e: {  	_ =	swait.ge [sflag:s18], $0x4000  }
0x2f: {  	[sflag:s18] =	ssyncset.done $0x0  }
0x30: {  	[sflag:s18] =	ssyncadd.s32 $0xFFFFC000  }
0x31: {  	[tilespmem:s17], [sflag:$0x3] =	stream.linear.gather [hbm4b:s10+s2], $0x4000, $0x38;
	[tilespmem:$0x1E400] =	vst v63  }
0x32: {  	_ =	swait.ge [sflag:s18], $0x4000  }
0x33: {  	[sflag:s18] =	ssyncset.done $0x0  }
0x34: {  	[sflag:s18] =	ssyncadd.s32 $0xFFFFC000  }
0x35: {  	[spmem:s11] =	stream.linear.scatter [tilespmem:s17], [sflag:$0x3], $0x4000, $0x38;
	[tilespmem:$0x1E400] =	vst v63  }
0x36: {  	_ =	swait.ge [sflag:s18], $0x4000  }
0x37: {  	[sflag:s18] =	ssyncset.done $0x0  }
0x38: {  	[sflag:s18] =	ssyncadd.s32 $0xFFFFC000  }
0x39: {  	[tilespmem:s17], [sflag:$0x3] =	stream.linear.gather [hbm4b:s12+s2], $0x3C00, $0x38;
	[tilespmem:$0x1E400] =	vst v63  }
0x3a: {  	_ =	swait.ge [sflag:s18], $0x3C00  }
0x3b: {  	[sflag:s18] =	ssyncset.done $0x0  }
0x3c: {  	[sflag:s18] =	ssyncadd.s32 $0xFFFFC400  }
0x3d: {  	[spmem:s13] =	stream.linear.scatter [tilespmem:s17], [sflag:$0x3], $0x3C00, $0x38;
	[tilespmem:$0x1E400] =	vst v63  }
0x3e: {  	_ =	swait.ge [sflag:s18], $0x3C00  }
0x3f: {  	[sflag:s18] =	ssyncset.done $0x0  }
0x40: {  	[sflag:s18] =	ssyncadd.s32 $0xFFFFC400  }
0x41: {  	[bflag:$0x0] =	sbarrier.arrive $0xFFFF  }
0x42: {  	[tilespmem:s2], [sflag:$0x3] =	stream.linear.gather [hbm4b:s14+s2], $0x2800, $0x38;
	[tilespmem:$0x1E400] =	vst v63  }
0x43: {  	_ =	swait.ge [sflag:s18], $0x2800  }
0x44: {  	[sflag:s18] =	ssyncset.done $0x0  }
0x45: {  	s4 =	simm.s32 $0x0;
	[sflag:s18] =	ssyncadd.s32 $0xFFFFD800  }
0x46: {  	[tilespmem:s17], [sflag:$0x1] =	stream.indirect.gather [spmem:s1], $0x80, s4, s19, $0xb8;
	[tilespmem:$0x1E400] =	vst v63  }
0x47: {  	s5 =	simm.s32 $0x20  }
0x48: {  	[tilespmem:s20], [sflag:$0x1] =	stream.indirect.gather [spmem:s1], $0x80, s5, s19, $0xb8;
	[tilespmem:$0x1E400] =	vst v63  }
0x49: {  	s3 =	simm.s32 $0x40  }
0x4a: {  	[tilespmem:s21], [sflag:$0x1] =	stream.indirect.gather [spmem:s1], $0x80, s3, s19, $0xb8;
	[tilespmem:$0x1E400] =	vst v63  }
0x4b: {  	s4 =	simm.s32 $0x60  }
0x4c: {  	[tilespmem:s22], [sflag:$0x1] =	stream.indirect.gather [spmem:s1], $0x80, s4, s19, $0xb8;
	[tilespmem:$0x1E400] =	vst v63  }
0x4d: {  	s5 =	simm.s32 $0x80  }
0x4e: {  	[tilespmem:s23], [sflag:$0x1] =	stream.indirect.gather [spmem:s1], $0x80, s5, s19, $0xb8;
	[tilespmem:$0x1E400] =	vst v63  }
0x4f: {  	s3 =	simm.s32 $0xA0  }
0x50: {  	[tilespmem:s24], [sflag:$0x1] =	stream.indirect.gather [spmem:s1], $0x80, s3, s19, $0xb8;
	[tilespmem:$0x1E400] =	vst v63  }
0x51: {  	s4 =	simm.s32 $0xC0  }
0x52: {  	[tilespmem:s25], [sflag:$0x1] =	stream.indirect.gather [spmem:s1], $0x80, s4, s19, $0xb8;
	[tilespmem:$0x1E400] =	vst v63  }
0x53: {  	s5 =	simm.s32 $0xE0  }
0x54: {  	[tilespmem:s26], [sflag:$0x1] =	stream.indirect.gather [spmem:s1], $0x80, s5, s19, $0xb8;
	[tilespmem:$0x1E400] =	vst v63  }
0x55: {  	_ =	swait.ge [sflag:s28], $0x1000  }
0x56: {  	[sflag:s28] =	ssyncset.done $0x0  }
0x57: {  	[sflag:s28] =	ssyncadd.s32 $0xFFFFF000  }
0x58: {  	_ =	swait.ge [sflag:s28], $0x1000  }
0x59: {  	[sflag:s28] =	ssyncset.done $0x0  }
0x5a: {  	[sflag:s28] =	ssyncadd.s32 $0xFFFFF000  }
0x5b: {  	_ =	swait.ge [sflag:s28], $0x1000  }
0x5c: {  	[sflag:s28] =	ssyncset.done $0x0  }
0x5d: {  	[sflag:s28] =	ssyncadd.s32 $0xFFFFF000  }
0x5e: {  	_ =	swait.ge [sflag:s28], $0x1000  }
0x5f: {  	[sflag:s28] =	ssyncset.done $0x0  }
0x60: {  	[sflag:s28] =	ssyncadd.s32 $0xFFFFF000  }
0x61: {  	_ =	swait.ge [sflag:s28], $0x1000  }
0x62: {  	[sflag:s28] =	ssyncset.done $0x0  }
0x63: {  	[sflag:s28] =	ssyncadd.s32 $0xFFFFF000  }
0x64: {  	_ =	swait.ge [sflag:s28], $0x1000  }
0x65: {  	[sflag:s28] =	ssyncset.done $0x0  }
0x66: {  	[sflag:s28] =	ssyncadd.s32 $0xFFFFF000  }
0x67: {  	_ =	swait.ge [sflag:s28], $0x1000  }
0x68: {  	[sflag:s28] =	ssyncset.done $0x0  }
0x69: {  	[sflag:s28] =	ssyncadd.s32 $0xFFFFF000  }
0x6a: {  	_ =	swait.ge [sflag:s28], $0x1000  }
0x6b: {  	[sflag:s28] =	ssyncset.done $0x0  }
0x6c: {  	[sflag:s28] =	ssyncadd.s32 $0xFFFFF000  }
0x6d: {  	[hbm4b:s16+s2] =	stream.linear.scatter [tilespmem:s17], [sflag:$0x2], $0x8000, $0x38;
	[tilespmem:$0x1E400] =	vst v63  }
0x6e: {  	s31 =	sadd.s32 $0x1000, s16;
	_ =	swait.ge [sflag:s29], $0x8000  }
0x6f: {  	s0 =	simm.s32 $0x400;
	s3 =	simm.s32 $0x800;
	[sflag:s29] =	ssyncset.done $0x0  }
.LBB2_2:
0x70: {  	s5 =	sshra.s32 s0, $0x2  }
0x71: {  	[sflag:s29] =	ssyncadd.s32 $0xFFFF8000;
	s0 =	smov.u32 s3;
	s4 =	sadd.s32 $0x400, s3  }
0x72: {  	[tilespmem:s17], [sflag:$0x1] =	stream.indirect.gather [spmem:s1], $0x80, s5, s19, $0xb8;
	[tilespmem:$0x1E400] =	vst v63  }
0x73: {  	p0 =	sne.s32 s3, $0x9C00;
	s3 =	sadd.s32 $0x20, s5  }
0x74: {  	[tilespmem:s20], [sflag:$0x1] =	stream.indirect.gather [spmem:s1], $0x80, s3, s19, $0xb8;
	[tilespmem:$0x1E400] =	vst v63  }
0x75: {  	s3 =	sadd.s32 $0x40, s5  }
0x76: {  	[tilespmem:s21], [sflag:$0x1] =	stream.indirect.gather [spmem:s1], $0x80, s3, s19, $0xb8;
	[tilespmem:$0x1E400] =	vst v63  }
0x77: {  	s3 =	sadd.s32 $0x60, s5  }
0x78: {  	[tilespmem:s22], [sflag:$0x1] =	stream.indirect.gather [spmem:s1], $0x80, s3, s19, $0xb8;
	[tilespmem:$0x1E400] =	vst v63  }
0x79: {  	s3 =	sadd.s32 $0x80, s5  }
0x7a: {  	[tilespmem:s23], [sflag:$0x1] =	stream.indirect.gather [spmem:s1], $0x80, s3, s19, $0xb8;
	[tilespmem:$0x1E400] =	vst v63  }
0x7b: {  	s3 =	sadd.s32 $0xA0, s5  }
0x7c: {  	[tilespmem:s24], [sflag:$0x1] =	stream.indirect.gather [spmem:s1], $0x80, s3, s19, $0xb8;
	[tilespmem:$0x1E400] =	vst v63  }
0x7d: {  	s3 =	sadd.s32 $0xC0, s5  }
0x7e: {  	[tilespmem:s25], [sflag:$0x1] =	stream.indirect.gather [spmem:s1], $0x80, s3, s19, $0xb8;
	[tilespmem:$0x1E400] =	vst v63  }
0x7f: {  	s3 =	sadd.s32 $0xE0, s5  }
0x80: {  	[tilespmem:s26], [sflag:$0x1] =	stream.indirect.gather [spmem:s1], $0x80, s3, s19, $0xb8;
	[tilespmem:$0x1E400] =	vst v63  }
0x81: {  	_ =	swait.ge [sflag:s28], $0x1000  }
0x82: {  	[sflag:s28] =	ssyncset.done $0x0  }
0x83: {  	[sflag:s28] =	ssyncadd.s32 $0xFFFFF000  }
0x84: {  	_ =	swait.ge [sflag:s28], $0x1000  }
0x85: {  	[sflag:s28] =	ssyncset.done $0x0  }
0x86: {  	[sflag:s28] =	ssyncadd.s32 $0xFFFFF000  }
0x87: {  	_ =	swait.ge [sflag:s28], $0x1000  }
0x88: {  	[sflag:s28] =	ssyncset.done $0x0  }
0x89: {  	[sflag:s28] =	ssyncadd.s32 $0xFFFFF000  }
0x8a: {  	_ =	swait.ge [sflag:s28], $0x1000  }
0x8b: {  	[sflag:s28] =	ssyncset.done $0x0  }
0x8c: {  	[sflag:s28] =	ssyncadd.s32 $0xFFFFF000  }
0x8d: {  	_ =	swait.ge [sflag:s28], $0x1000  }
0x8e: {  	[sflag:s28] =	ssyncset.done $0x0  }
0x8f: {  	[sflag:s28] =	ssyncadd.s32 $0xFFFFF000  }
0x90: {  	_ =	swait.ge [sflag:s28], $0x1000  }
0x91: {  	[sflag:s28] =	ssyncset.done $0x0  }
0x92: {  	[sflag:s28] =	ssyncadd.s32 $0xFFFFF000  }
0x93: {  	_ =	swait.ge [sflag:s28], $0x1000  }
0x94: {  	[sflag:s28] =	ssyncset.done $0x0  }
0x95: {  	[sflag:s28] =	ssyncadd.s32 $0xFFFFF000  }
0x96: {  	_ =	swait.ge [sflag:s28], $0x1000  }
.Ltmp0:
0x97: {  	[sflag:s28] =	ssyncset.done $0x0;
	(pc) =	sbr.rel @p0 .LBB2_2-.Ltmp0, $4  }
0x98: {  	[sflag:s28] =	ssyncadd.s32 $0xFFFFF000  }
0x99: {  	[hbm4b:s31+s2] =	stream.linear.scatter [tilespmem:s17], [sflag:$0x2], $0x8000, $0x38;
	[tilespmem:$0x1E400] =	vst v63  }
0x9a: {  	_ =	swait.ge [sflag:s29], $0x8000  }
0x9b: {  	s3 =	smov.u32 s4;
	s31 =	sadd.s32 $0x1000, s31;
	[sflag:s29] =	ssyncset.done $0x0  }
0x9c: {  	s0 =	sshra.s32 s0, $0x2;
	[sflag:s29] =	ssyncadd.s32 $0xFFFF8000  }
0x9d: {  	[tilespmem:s17], [sflag:$0x1] =	stream.indirect.gather [spmem:s1], $0x80, s0, s19, $0xb8;
	[tilespmem:$0x1E400] =	vst v63  }
0x9e: {  	s3 =	sadd.s32 $0x20, s0  }
0x9f: {  	[tilespmem:s20], [sflag:$0x1] =	stream.indirect.gather [spmem:s1], $0x80, s3, s19, $0xb8;
	[tilespmem:$0x1E400] =	vst v63  }
0xa0: {  	s5 =	sadd.s32 $0x40, s0  }
0xa1: {  	[tilespmem:s21], [sflag:$0x1] =	stream.indirect.gather [spmem:s1], $0x80, s5, s19, $0xb8;
	[tilespmem:$0x1E400] =	vst v63  }
0xa2: {  	s4 =	sadd.s32 $0x60, s0  }
0xa3: {  	[tilespmem:s22], [sflag:$0x1] =	stream.indirect.gather [spmem:s1], $0x80, s4, s19, $0xb8;
	[tilespmem:$0x1E400] =	vst v63  }
0xa4: {  	s5 =	sadd.s32 $0x80, s0  }
0xa5: {  	[tilespmem:s23], [sflag:$0x1] =	stream.indirect.gather [spmem:s1], $0x80, s5, s19, $0xb8;
	[tilespmem:$0x1E400] =	vst v63  }
0xa6: {  	s4 =	sadd.s32 $0xA0, s0  }
0xa7: {  	[tilespmem:s24], [sflag:$0x1] =	stream.indirect.gather [spmem:s1], $0x80, s4, s19, $0xb8;
	[tilespmem:$0x1E400] =	vst v63  }
0xa8: {  	s5 =	sadd.s32 $0xC0, s0  }
0xa9: {  	[tilespmem:s25], [sflag:$0x1] =	stream.indirect.gather [spmem:s1], $0x80, s5, s19, $0xb8;
	[tilespmem:$0x1E400] =	vst v63  }
0xaa: {  	s0 =	sadd.s32 $0xE0, s0  }
0xab: {  	[tilespmem:s26], [sflag:$0x1] =	stream.indirect.gather [spmem:s1], $0x80, s0, s19, $0xb8;
	[tilespmem:$0x1E400] =	vst v63  }
0xac: {  	_ =	swait.ge [sflag:s28], $0x1000  }
0xad: {  	[sflag:s28] =	ssyncset.done $0x0  }
0xae: {  	[sflag:s28] =	ssyncadd.s32 $0xFFFFF000  }
0xaf: {  	_ =	swait.ge [sflag:s28], $0x1000  }
0xb0: {  	[sflag:s28] =	ssyncset.done $0x0  }
0xb1: {  	[sflag:s28] =	ssyncadd.s32 $0xFFFFF000  }
0xb2: {  	_ =	swait.ge [sflag:s28], $0x1000  }
0xb3: {  	[sflag:s28] =	ssyncset.done $0x0  }
0xb4: {  	[sflag:s28] =	ssyncadd.s32 $0xFFFFF000  }
0xb5: {  	_ =	swait.ge [sflag:s28], $0x1000  }
0xb6: {  	[sflag:s28] =	ssyncset.done $0x0  }
0xb7: {  	[sflag:s28] =	ssyncadd.s32 $0xFFFFF000  }
0xb8: {  	_ =	swait.ge [sflag:s28], $0x1000  }
0xb9: {  	[sflag:s28] =	ssyncset.done $0x0  }
0xba: {  	[sflag:s28] =	ssyncadd.s32 $0xFFFFF000  }
0xbb: {  	_ =	swait.ge [sflag:s28], $0x1000  }
0xbc: {  	[sflag:s28] =	ssyncset.done $0x0  }
0xbd: {  	[sflag:s28] =	ssyncadd.s32 $0xFFFFF000  }
0xbe: {  	_ =	swait.ge [sflag:s28], $0x1000  }
0xbf: {  	[sflag:s28] =	ssyncset.done $0x0  }
0xc0: {  	[sflag:s28] =	ssyncadd.s32 $0xFFFFF000  }
0xc1: {  	s30 =	sadd.s32 $0x1, s30;
	_ =	swait.ge [sflag:s28], $0x1000  }
0xc2: {  	p0 =	sne.s32 s30, s15;
	[sflag:s28] =	ssyncset.done $0x0  }
.Ltmp1:
0xc3: {  	[sflag:s28] =	ssyncadd.s32 $0xFFFFF000;
	(pc) =	sbr.rel @p0 .LBB2_1-.Ltmp1, $4  }
0xc4: {  	[hbm4b:s31+s2] =	stream.linear.scatter [tilespmem:s17], [sflag:$0x2], $0x8000, $0x38;
	[tilespmem:$0x1E400] =	vst v63  }
0xc5: {  	_ =	swait.ge [sflag:s29], $0x8000  }
0xc6: {  	[sflag:s29] =	ssyncset.done $0x0  }
0xc7: {  	[sflag:s29] =	ssyncadd.s32 $0xFFFF8000  }
0xc8: {  	_ =	sfence.sel $0x180000  }
0xc9: {  	[bflag:$0x0] =	sbarrier.arrive $0xFFFF  }
0xca: {  	_ =	strace $0x90000047  }
0xcb: {  	s0 =	stileid.u32;
	[bflag:$0x2] =	sbarrier.arrive $0xFFFF  }
0xcc: {  	p0 =	sne.s32 s0, $0x0;
	s0 =	rddreg [dreg:$0x3]  }
0xcd: {  	s0 =	sadd.s32 @!p0 $0x100000, s0  }
0xce: {  	[sflag:s0] =	ssyncadd.tile.s32 @!p0 $0x1;
	_ =	shalt  }
.Lfunc_end2:
_tile_overlayer_lowered:
.L_overlay_start_2:
0xcf: {  	(tag) =	ssettag $0x2  }
0xd0: {  	s0 =	rddreg [dreg:$0x0];
	s2 =	stileid.u32  }
0xd1: {  	s1 =	rddreg [dreg:$0x1];
	p0 =	sne.s32 s2, $0x0  }
0xd2: {  	s3 =	rddreg [dreg:$0x2];
	[bflag:$0x3] =	sbarrier.arrive $0xFFFF;
	s2 =	simm.s32 @!p0 $0x1C03  }
0xd3: {  	[timem:s3], [sflag:s2] =	dma.local @!p0 [hbm:s0], s1  }
0xd4: {  	s0 =	simm.s32 @!p0 $0x3  }
0xd5: {  	_ =	swait.ge @!p0 [sflag:s0], s1  }
0xd6: {  	s1 =	ssub.s32 @!p0 $0x0, s1;
	[sflag:s0] =	ssyncset.done @!p0 $0x0  }
0xd7: {  	[sflag:s0] =	ssyncadd.s32 @!p0 s1  }
0xd8: {  	[bflag:$0x3] =	sbarrier.arrive $0xFFFF  }
0xd9: {  	_ =	shalt  }

// kernel: kernel.8.cloned.1.call-start
scs
__scs_entry_jumppad:
0x0: {  	(pc) =	sbr.rel $0x88, $3  }
0x1: {  	(tag) =	ssettag $0x0;
	lr =	simm.s32 $0x1  }
0x2: {  	[smem:$0x3F97] =	sst lr;
	_ =	strace $0xD0000000  }
0x3: {  	_ = 	snop  }
0x4: {  	_ = 	snop  }
0x5: {  	_ = 	snop  }
0x6: {  	_ = 	snop  }
0x7: {  	_ = 	snop  }
__scs_overlays_trampoline_lowered:
0x8: {  	[smem:$0x3FA6] =	sst s0  }
0x9: {  	[smem:$0x3FA7] =	sst s1  }
0xa: {  	[smem:$0x3FA8] =	sst s2  }
0xb: {  	[smem:$0x3FA9] =	sst s3  }
0xc: {  	[smem:$0x3FAA] =	sst s4  }
0xd: {  	[smem:$0x3FAB] =	sst s5  }
0xe: {  	[smem:$0x3FAC] =	sst s6  }
0xf: {  	[smem:$0x3FAD] =	sst s7  }
0x10: {  	[smem:$0x3FAE] =	sst s8  }
0x11: {  	[smem:$0x3FAF] =	sst s9;
	s0 =	simm.s32 @!p0 $0x0  }
0x12: {  	s1 =	sld [smem:$0x3F95];
	s0 =	simm.s32 @p0 $0x1  }
0x13: {  	[smem:$0x3FB0] =	sst s0;
	s0 =	simm.s32 @!p1 $0x0  }
0x14: {  	s2 =	sld [smem:$0x3F94];
	s0 =	simm.s32 @p1 $0x1  }
0x15: {  	[smem:$0x3FB1] =	sst s0;
	s0 =	simm.s32 @!p2 $0x0  }
0x16: {  	s3 =	sld [smem:$0x3FDB];
	s0 =	simm.s32 @p2 $0x1  }
0x17: {  	s4 =	simm.s32 $0x1BF5;
	[smem:$0x3FB3] =	sst s0  }
0x18: {  	s0 =	sld [smem:$0x3F96];
	_ =	swait.ge [sflag:s4], $0x0  }
0x19: {  	s7 =	sld [smem:$0x3F97]  }
0x1a: {  	s8 =	sadd.s32 $0xFFFFE003, lr  }
0x1b: {  	s9 =	sadd.s32 $0xFFFFFEF7, lr;
	s5 =	simm.s32 $0xFFFFFFFF;
	p2 =	slt.u32 s8, $0xFFFFF086  }
0x1c: {  	p1 =	slt.u32 s9, $0xF7A;
	s5 =	simm.s32 @!p2 $0x0  }
0x1d: {  	s5 =	simm.s32 @p1 $0x1;
	p0 =	seq.s32 s7, s2  }
0x1e: {  	s7 =	smul.u32 @!p0 $0xF7A, s2;
	p2 =	seq.s32 @!p0 s5, $0x0  }
0x1f: {  	s9 =	smul.u32 $0xF7A, s1;
	s8 =	simm.s32 @!p0 $0x1BF5;
	p2 =	por !p2, p0  }
0x20: {  	[sflag:s8] =	ssyncset.s32 @!p0 $0xFFFFF086;
	s6 =	sadd.s32 @!p0 s3, s7;
	s7 =	simm.s32 @!p0 $0x108  }
0x21: {  	s3 =	sadd.s32 s3, s9;
	s6 =	sadd.s32 @!p0 $0x88, s6;
	s7 =	simm.s32 @p2 $0x1082  }
0x22: {  	[simem:s7], [sflag:s8] =	dma.local @!p0 [hbm:s6], $0xF7A  }
0x23: {  	s9 =	sor.u32 $0xD0000000, s2;
	s6 =	simm.s32 $0x108;
	_ =	swait.ge @!p0 [sflag:s8], $0x0  }
0x24: {  	s3 =	sadd.s32 $0x88, s3;
	s6 =	simm.s32 @!p1 $0x1082;
	[sflag:s4] =	ssyncset.s32 $0xFFFFF086  }
0x25: {  	[simem:s6], [sflag:s4] =	dma.local [hbm:s3], $0xF7A  }
0x26: {  	[smem:$0x3F97] =	sst s1;
	(tag) =	ssettag s2;
	_ =	strace s9  }
0x27: {  	s1 =	sld [smem:$0x3FA7]  }
0x28: {  	s2 =	sld [smem:$0x3FA8]  }
0x29: {  	s4 =	sld [smem:$0x3FAA]  }
0x2a: {  	p0 =	seq.s32 s5, $0x0;
	s5 =	sld [smem:$0x3FAB]  }
0x2b: {  	s6 =	sld [smem:$0x3FAC]  }
0x2c: {  	s7 =	sld [smem:$0x3FAD]  }
0x2d: {  	s3 =	simm.s32 $0x108;
	s8 =	sld [smem:$0x3FAE]  }
0x2e: {  	s3 =	simm.s32 @!p0 $0x1082;
	s9 =	sld [smem:$0x3FAF]  }
0x2f: {  	lr =	sadd.s32 s0, s3;
	s0 =	sld [smem:$0x3FA6]  }
0x30: {  	s3 =	sld [smem:$0x3FA9]  }
0x31: {  	[smem:$0x3FB2] =	sst s10  }
0x32: {  	s10 =	sld [smem:$0x3FB0];
	_ =	sdelay $0x3  }
0x33: {  	p0 =	seq.s32 s10, $0x1;
	s10 =	sld [smem:$0x3FB2];
	_ =	sdelay $0x3  }
0x34: {  	[smem:$0x3FB2] =	sst s10  }
0x35: {  	s10 =	sld [smem:$0x3FB1];
	_ =	sdelay $0x3  }
0x36: {  	p1 =	seq.s32 s10, $0x1;
	s10 =	sld [smem:$0x3FB2];
	_ =	sdelay $0x3  }
0x37: {  	[smem:$0x3FB2] =	sst s10  }
0x38: {  	s10 =	sld [smem:$0x3FB3]  }
0x39: {  	_ = 	snop;
	(pc) =	sbr.ind lr, $3  }
0x3a: {  	_ = 	snop  }
0x3b: {  	_ = 	snop  }
0x3c: {  	p2 =	seq.s32 s10, $0x1;
	s10 =	sld [smem:$0x3FB2]  }
0x3d: {  	_ =	shalt  }
0x3e: {  	_ =	shalt  }
0x3f: {  	_ =	shalt  }
0x40: {  	_ =	shalt  }
0x41: {  	_ =	shalt  }
0x42: {  	_ =	shalt  }
0x43: {  	_ =	shalt  }
0x44: {  	_ =	shalt  }
0x45: {  	_ =	shalt  }
0x46: {  	_ =	shalt  }
0x47: {  	_ =	shalt  }
0x48: {  	_ =	shalt  }
0x49: {  	_ =	shalt  }
0x4a: {  	_ =	shalt  }
0x4b: {  	_ =	shalt  }
0x4c: {  	_ =	shalt  }
0x4d: {  	_ =	shalt  }
0x4e: {  	_ =	shalt  }
0x4f: {  	_ =	shalt  }
0x50: {  	_ =	shalt  }
0x51: {  	_ =	shalt  }
0x52: {  	_ =	shalt  }
0x53: {  	_ =	shalt  }
0x54: {  	_ =	shalt  }
0x55: {  	_ =	shalt  }
0x56: {  	_ =	shalt  }
0x57: {  	_ =	shalt  }
0x58: {  	_ =	shalt  }
0x59: {  	_ =	shalt  }
0x5a: {  	_ =	shalt  }
0x5b: {  	_ =	shalt  }
0x5c: {  	_ =	shalt  }
0x5d: {  	_ =	shalt  }
0x5e: {  	_ =	shalt  }
0x5f: {  	_ =	shalt  }
0x60: {  	_ =	shalt  }
0x61: {  	_ =	shalt  }
0x62: {  	_ =	shalt  }
0x63: {  	_ =	shalt  }
0x64: {  	_ =	shalt  }
0x65: {  	_ =	shalt  }
0x66: {  	_ =	shalt  }
0x67: {  	_ =	shalt  }
0x68: {  	_ =	shalt  }
0x69: {  	_ =	shalt  }
0x6a: {  	_ =	shalt  }
0x6b: {  	_ =	shalt  }
0x6c: {  	_ =	shalt  }
0x6d: {  	_ =	shalt  }
0x6e: {  	_ =	shalt  }
0x6f: {  	_ =	shalt  }
0x70: {  	_ =	shalt  }
0x71: {  	_ =	shalt  }
0x72: {  	_ =	shalt  }
0x73: {  	_ =	shalt  }
0x74: {  	_ =	shalt  }
0x75: {  	_ =	shalt  }
0x76: {  	_ =	shalt  }
0x77: {  	_ =	shalt  }
0x78: {  	_ =	shalt  }
0x79: {  	_ =	shalt  }
0x7a: {  	_ =	shalt  }
0x7b: {  	_ =	shalt  }
0x7c: {  	_ =	shalt  }
0x7d: {  	_ =	shalt  }
0x7e: {  	_ =	shalt  }
0x7f: {  	_ =	shalt  }
0x80: {  	_ =	shalt  }
0x81: {  	_ =	shalt  }
0x82: {  	_ =	shalt  }
0x83: {  	_ =	shalt  }
0x84: {  	_ =	shalt  }
0x85: {  	_ =	shalt  }
0x86: {  	_ =	shalt  }
0x87: {  	_ =	shalt  }
.Lfunc_end0:
.L_simem_size_0:
called_computation.1_lowered:
.L_overlay_start_0:
0x88: {  	s2 =	sld [smem:$0x3FD9]  }
0x89: {  	s3 =	sld [smem:$0x3FFE];
	_ =	sdelay $0x1  }
0x8a: {  	s1 =	srdreg.scid  }
0x8b: {  	s0 =	sand.u32 $0x1, s1  }
0x8c: {  	s17 =	sshll.u32 s0, $0xA;
	s2 =	sadd.s32 s3, s2  }
0x8d: {  	s2 =	sadd.s32 s2, s17  }
0x8e: {  	[smem:$0x3FBE] =	sst s2  }
0x8f: {  	_ = 	snop  }
0x90: {  	s2 =	sld [smem:$0x3FD0];
	(tm) =	ssettm $0x1  }
0x91: {  	s18 =	sld [smem:$0x3FFB];
	_ =	sdelay $0x3  }
0x92: {  	_ =	strace s18  }
0x93: {  	s3 =	sld [smem:$0x3FFC];
	_ =	sdelay $0x3  }
0x94: {  	_ =	strace s3  }
0x95: {  	s3 =	sld [smem:$0x3FFD];
	_ =	sdelay $0x3  }
0x96: {  	_ =	strace s3  }
0x97: {  	_ =	strace $0x8FFFFFFF  }
0x98: {  	s19 =	sld [smem:$0x3FDB];
	_ =	sdelay $0x1  }
0x99: {  	s4 =	simm.s32 $_scs_section_size  }
0x9a: {  	s5 =	simm.s32 $_size__tile_overlayer_lowered;
	s6 =	simm.s32 $_tile_overlayer_lowered  }
0x9b: {  	s22 =	simm.s32 $0x1BFF;
	s21 =	sshll.u32 s6, $0x1;
	s3 =	sadd.s32 s4, s19  }
0x9c: {  	s7 =	simm.s32 $0x0;
	s20 =	sshll.u32 s5, $0x1;
	s5 =	sadd.s32 s21, s3  }
0x9d: {  	[timem:s7], [sflag:s22] =	dma.local [hbm:s5], s20  }
0x9e: {  	_ =	swait.ge [sflag:s22], s20  }
0x9f: {  	s4 =	ssub.s32 $0x0, s20;
	[sflag:s22] =	ssyncset.done $0x0  }
0xa0: {  	[sflag:s22] =	ssyncadd.s32 s4;
	_ =	sdelay $0x1  }
0xa1: {  	s23 =	simm.s32 $0x1B8B  }
0xa2: {  	_ =	swait.ge [sflag:s23], $0x1  }
0xa3: {  	[sflag:s23] =	ssyncset.done $0x0  }
0xa4: {  	s25 =	simm.s32 $0x1B8E;
	s24 =	sld [smem:$0x3FFE];
	[sflag:s23] =	ssyncadd.s32 $0xFFFFFFFF  }
0xa5: {  	s26 =	simm.s32 $execute0_lowered;
	[smem:$0x3FD2] =	sst s25  }
0xa6: {  	s5 =	sshll.u32 s26, $0x1;
	_ =	strace $0x80000049;
	[dreg:$0x1] =	wrdreg $0xFFFFFFFF  }
0xa7: {  	s28 =	simm.s32 $_size_execute0_lowered;
	s3 =	sadd.s32 s3, s5;
	[dreg:$0x0] =	wrdreg $0x0  }
0xa8: {  	s5 =	sshll.u32 s28, $0x1;
	[dreg:$0x2] =	wrdreg s3  }
0xa9: {  	[dreg:$0x3] =	wrdreg s5  }
0xaa: {  	[dreg:$0x4] =	wrdreg $0xC0  }
0xab: {  	_ =	task [dreg:s7], $0x5FFFF  }
0xac: {  	[dreg:$0x1] =	wrdreg $0xFFFFFFFF  }
0xad: {  	[dreg:$0x0] =	wrdreg $0x60  }
0xae: {  	[dreg:$0x2] =	wrdreg s24  }
0xaf: {  	[dreg:$0x3] =	wrdreg s2  }
0xb0: {  	[dreg:$0x4] =	wrdreg $0xA8000  }
0xb1: {  	[dreg:$0x5] =	wrdreg $0x9  }
0xb2: {  	_ =	task.clear_ibuf [dreg:s7], $0x6FFFF;
	_ =	strace $0x90000049  }
0xb3: {  	s29 =	simm.s32 $0x9;
	_ =	strace $0x8000004B  }
0xb4: {  	_ =	swait.ge [sflag:s29], $0x1  }
0xb5: {  	[sflag:s29] =	ssyncadd.s32 $0xFFFFFFFF  }
0xb6: {  	_ =	strace $0x9000004B  }
0xb7: {  	_ =	sfence  }
0xb8: {  	s30 =	sld [smem:$0x0];
	_ =	sdelay $0x2  }
0xb9: {  	s31 =	sshll.u32 s1, $0xD;
	s1 =	sshrl.u32 s1, $0x2  }
0xba: {  	s3 =	sand.u32 $0x4000, s31;
	s1 =	sadd.s32 s1, s30  }
0xbb: {  	s0 =	sor.u32 s3, s0;
	s1 =	sshll.u32 s1, $0x11  }
0xbc: {  	s0 =	sor.u32 s1, s0  }
0xbd: {  	s0 =	sadd.s32 $0x8F2B, s0  }
0xbe: {  	[sflag:s0] =	ssyncadd.remote.s32 $0x1  }
0xbf: {  	_ =	sfence.sel $0xFFFF  }
0xc0: {  	[dreg:$0x0] =	wrdreg $0xFFFFFFFF;
	(pc) =	sbr.abs _section_cstart, $3  }
0xc1: {  	[dreg:$0x1] =	wrdreg $0xFFFFFFFF  }
0xc2: {  	_ =	task.clear_ibuf [dreg:s7], $0x2FFFF;
	_ =	strace $0x9FFFFFFF  }
0xc3: {  	(tm) =	ssettm $0x7FFFFFFF  }
tec
execute0_lowered:
.L_overlay_start_1:
0x0: {  	(tag) =	ssettag $0x1  }
0x1: {  	s6 =	rddreg [dreg:$0x0]  }
0x2: {  	s2 =	rddreg [dreg:$0x1]  }
0x3: {  	s0 =	srdreg.scid;
	s3 =	rddreg [dreg:$0x2]  }
0x4: {  	s1 =	rddreg [dreg:$0x3];
	s4 =	simm.s32 $0x0;
	s18 =	simm.s32 $0x2800  }
0x5: {  	s19 =	simm.s32 $0x3;
	s20 =	simm.s32 $0x1;
	s10 =	sand.u32 $0x1, s0  }
0x6: {  	s21 =	simm.s32 $0x80;
	s0 =	stileid.u32;
	s5 =	smul.u32 $0x1400000, s10  }
0x7: {  	s22 =	simm.s32 $0x6800;
	s23 =	simm.s32 $0x2;
	s7 =	smul.u32 $0x140000, s0  }
0x8: {  	s24 =	simm.s32 $0x0;
	[smem:$0x7FF] =	sst s4;
	s8 =	smul.u32 $0x278, s0  }
0x9: {  	s9 =	smul.u32 $0x2780, s10;
	s29 =	sshll.u32 s10, $0x4;
	s14 =	ssub.s32 $0x2, s10  }
0xa: {  	s11 =	smul.u32 $0x4F000, s0;
	_ =	strace $0x8000004A;
	s16 =	sshrl.u32 s14, $0x1  }
0xb: {  	s5 =	sadd.s32 s7, s5;
	s7 =	sor.u32 s0, s29;
	s8 =	sadd.s32 s8, s9  }
0xc: {  	s30 =	sshrl.u32 s11, $0x2;
	s5 =	sshrl.u32 s5, $0x3;
	s7 =	smul.u32 $0x500, s7  }
0xd: {  	s8 =	sshll.u32 s8, $0x4;
	s17 =	sadd.s32 s5, s6;
	s5 =	sadd.s32 s30, s3  }
0xe: {  	s15 =	sadd.s32 s8, s6;
	s31 =	sadd.s32 s7, s6;
	s6 =	sadd.s32 $0x4000, s5  }
0xf: {  	s7 =	sadd.s32 $0x8000, s5;
	s8 =	sadd.s32 $0xC000, s5;
	s11 =	sadd.s32 $0x53CE00, s15  }
0x10: {  	s16 =	ssub.s32 s14, s16;
	s12 =	sadd.s32 $0x53D600, s15;
	s13 =	sadd.s32 $0x53DE00, s15  }
0x11: {  	s16 =	smax.u32 s16, $0x1;
	s14 =	sadd.s32 $0x53E600, s15;
	s15 =	sadd.s32 $0x53EE00, s15  }
0x12: {  	s9 =	sadd.s32 $0x10000, s5;
	s17 =	sadd.s32 $0x32E00, s17;
	s10 =	sadd.s32 $0x532E00, s31  }
.LBB2_1:
0x13: {  	[tilespmem:s18], [sflag:$0x3] =	stream.linear.gather [hbm4b:s2+s4], $0x4000, $0x38;
	[tilespmem:$0x1E400] =	vst v63  }
0x14: {  	_ =	swait.ge [sflag:s19], $0x4000  }
0x15: {  	[sflag:s19] =	ssyncset.done $0x0  }
0x16: {  	[sflag:s19] =	ssyncadd.s32 $0xFFFFC000  }
0x17: {  	[spmem:s5] =	stream.linear.scatter [tilespmem:s18], [sflag:$0x3], $0x4000, $0x38;
	[tilespmem:$0x1E400] =	vst v63  }
0x18: {  	_ =	swait.ge [sflag:s19], $0x4000  }
0x19: {  	[sflag:s19] =	ssyncset.done $0x0  }
0x1a: {  	[sflag:s19] =	ssyncadd.s32 $0xFFFFC000  }
0x1b: {  	[spmem:s6] =	stream.linear.scatter [tilespmem:s18], [sflag:$0x3], $0x4000, $0x38;
	[tilespmem:$0x1E400] =	vst v63  }
0x1c: {  	_ =	swait.ge [sflag:s19], $0x4000  }
0x1d: {  	[sflag:s19] =	ssyncset.done $0x0  }
0x1e: {  	[sflag:s19] =	ssyncadd.s32 $0xFFFFC000  }
0x1f: {  	[spmem:s7] =	stream.linear.scatter [tilespmem:s18], [sflag:$0x3], $0x4000, $0x38;
	[tilespmem:$0x1E400] =	vst v63  }
0x20: {  	_ =	swait.ge [sflag:s19], $0x4000  }
0x21: {  	[sflag:s19] =	ssyncset.done $0x0  }
0x22: {  	[sflag:s19] =	ssyncadd.s32 $0xFFFFC000  }
0x23: {  	[spmem:s8] =	stream.linear.scatter [tilespmem:s18], [sflag:$0x3], $0x4000, $0x38;
	[tilespmem:$0x1E400] =	vst v63  }
0x24: {  	_ =	swait.ge [sflag:s19], $0x4000  }
0x25: {  	[sflag:s19] =	ssyncset.done $0x0  }
0x26: {  	[sflag:s19] =	ssyncadd.s32 $0xFFFFC000  }
0x27: {  	[spmem:s9] =	stream.linear.scatter [tilespmem:s18], [sflag:$0x3], $0x3C00, $0x38;
	[tilespmem:$0x1E400] =	vst v63  }
0x28: {  	_ =	swait.ge [sflag:s19], $0x3C00  }
0x29: {  	[sflag:s19] =	ssyncset.done $0x0  }
0x2a: {  	[sflag:s19] =	ssyncadd.s32 $0xFFFFC400  }
0x2b: {  	[bflag:$0x0] =	sbarrier.arrive $0xFFFF  }
0x2c: {  	[tilespmem:s4], [sflag:$0x3] =	stream.linear.gather [hbm4b:s10+s4], $0x2800, $0x38;
	[tilespmem:$0x1E400] =	vst v63  }
0x2d: {  	_ =	swait.ge [sflag:s19], $0x2800  }
0x2e: {  	[sflag:s19] =	ssyncset.done $0x0  }
0x2f: {  	s25 =	sadd.s32 $0x0, s17;
	[sflag:s19] =	ssyncadd.s32 $0xFFFFD800  }
0x30: {  	[tilespmem:s18], [sflag:$0x1] =	stream.linear.gather [hbm4b:s25+s4], $0x8000, $0x38;
	[tilespmem:$0x1E400] =	vst v63  }
0x31: {  	_ =	swait.ge [sflag:s20], $0x8000  }
0x32: {  	[sflag:s20] =	ssyncset.done $0x0  }
0x33: {  	s31 =	simm.s32 $0x0;
	[sflag:s20] =	ssyncadd.s32 $0xFFFF8000  }
0x34: {  	[spmem:s3] =	stream.indirect.scatter.add.f32 [tilespmem:s18], [sflag:$0x2], $0x80, s31, s21, $0xb8;
	[tilespmem:$0x1E400] =	vst v63  }
0x35: {  	_ = 	snop  }
0x36: {  	[spmem:s3] =	stream.indirect.scatter.add.f32 [tilespmem:s22], [sflag:$0x2], $0x80, s21, s21, $0xb8;
	[tilespmem:$0x1E400] =	vst v63  }
0x37: {  	_ =	swait.ge [sflag:s23], $0x4000  }
0x38: {  	[sflag:s23] =	ssyncset.done $0x0  }
0x39: {  	[sflag:s23] =	ssyncadd.s32 $0xFFFFC000  }
0x3a: {  	s26 =	simm.s32 $0x1000;
	_ =	swait.ge [sflag:s23], $0x4000  }
0x3b: {  	s28 =	simm.s32 $0x2000;
	s25 =	simm.s32 $0x180;
	[sflag:s23] =	ssyncset.done $0x0  }
.LBB2_2:
0x3c: {  	s29 =	sadd.s32 s26, s17  }
0x3d: {  	[sflag:s23] =	ssyncadd.s32 $0xFFFFC000;
	s26 =	smov.u32 s28;
	s30 =	sadd.s32 $0x1000, s28  }
0x3e: {  	[tilespmem:s18], [sflag:$0x1] =	stream.linear.gather [hbm4b:s29+s4], $0x8000, $0x38;
	[tilespmem:$0x1E400] =	vst v63  }
0x3f: {  	p0 =	sne.s32 s28, $0x27000;
	_ =	swait.ge [sflag:s20], $0x8000  }
0x40: {  	[sflag:s20] =	ssyncset.done $0x0  }
0x41: {  	s28 =	sadd.s32 $0xFFFFFF80, s25;
	[sflag:s20] =	ssyncadd.s32 $0xFFFF8000  }
0x42: {  	[spmem:s3] =	stream.indirect.scatter.add.f32 [tilespmem:s18], [sflag:$0x2], $0x80, s28, s21, $0xb8;
	[tilespmem:$0x1E400] =	vst v63  }
0x43: {  	_ = 	snop  }
0x44: {  	[spmem:s3] =	stream.indirect.scatter.add.f32 [tilespmem:s22], [sflag:$0x2], $0x80, s25, s21, $0xb8;
	[tilespmem:$0x1E400] =	vst v63  }
.Ltmp0:
0x45: {  	_ =	swait.ge [sflag:s23], $0x4000;
	(pc) =	sbr.rel @p0 .LBB2_2-.Ltmp0, $4  }
0x46: {  	[sflag:s23] =	ssyncset.done $0x0  }
0x47: {  	[sflag:s23] =	ssyncadd.s32 $0xFFFFC000  }
0x48: {  	_ =	swait.ge [sflag:s23], $0x4000  }
0x49: {  	s28 =	smov.u32 s30;
	s25 =	sadd.s32 $0x100, s25;
	[sflag:s23] =	ssyncset.done $0x0  }
0x4a: {  	s26 =	sadd.s32 s26, s17;
	[sflag:s23] =	ssyncadd.s32 $0xFFFFC000  }
0x4b: {  	[tilespmem:s18], [sflag:$0x1] =	stream.linear.gather [hbm4b:s26+s4], $0x8000, $0x38;
	[tilespmem:$0x1E400] =	vst v63  }
0x4c: {  	_ =	swait.ge [sflag:s20], $0x8000  }
0x4d: {  	[sflag:s20] =	ssyncset.done $0x0  }
0x4e: {  	s31 =	sadd.s32 $0xFFFFFF80, s25;
	[sflag:s20] =	ssyncadd.s32 $0xFFFF8000  }
0x4f: {  	[spmem:s3] =	stream.indirect.scatter.add.f32 [tilespmem:s18], [sflag:$0x2], $0x80, s31, s21, $0xb8;
	[tilespmem:$0x1E400] =	vst v63  }
0x50: {  	_ = 	snop  }
0x51: {  	[spmem:s3] =	stream.indirect.scatter.add.f32 [tilespmem:s22], [sflag:$0x2], $0x80, s25, s21, $0xb8;
	[tilespmem:$0x1E400] =	vst v63  }
0x52: {  	_ =	swait.ge [sflag:s23], $0x4000  }
0x53: {  	[sflag:s23] =	ssyncset.done $0x0  }
0x54: {  	[sflag:s23] =	ssyncadd.s32 $0xFFFFC000  }
0x55: {  	_ =	swait.ge [sflag:s23], $0x4000  }
0x56: {  	[sflag:s23] =	ssyncset.done $0x0  }
0x57: {  	[sflag:s23] =	ssyncadd.s32 $0xFFFFC000  }
0x58: {  	[bflag:$0x0] =	sbarrier.arrive $0xFFFF  }
0x59: {  	[tilespmem:s18], [sflag:$0x3] =	stream.linear.gather [spmem:s5], $0x4000, $0x38;
	[tilespmem:$0x1E400] =	vst v63  }
0x5a: {  	_ =	swait.ge [sflag:s19], $0x4000  }
0x5b: {  	[sflag:s19] =	ssyncset.done $0x0  }
0x5c: {  	[sflag:s19] =	ssyncadd.s32 $0xFFFFC000  }
0x5d: {  	[hbm4b:s11+s4] =	stream.linear.scatter [tilespmem:s18], [sflag:$0x3], $0x4000, $0x38;
	[tilespmem:$0x1E400] =	vst v63  }
0x5e: {  	_ =	swait.ge [sflag:s19], $0x4000  }
0x5f: {  	[sflag:s19] =	ssyncset.done $0x0  }
0x60: {  	[sflag:s19] =	ssyncadd.s32 $0xFFFFC000  }
0x61: {  	[tilespmem:s18], [sflag:$0x3] =	stream.linear.gather [spmem:s6], $0x4000, $0x38;
	[tilespmem:$0x1E400] =	vst v63  }
0x62: {  	_ =	swait.ge [sflag:s19], $0x4000  }
0x63: {  	[sflag:s19] =	ssyncset.done $0x0  }
0x64: {  	[sflag:s19] =	ssyncadd.s32 $0xFFFFC000  }
0x65: {  	[hbm4b:s12+s4] =	stream.linear.scatter [tilespmem:s18], [sflag:$0x3], $0x4000, $0x38;
	[tilespmem:$0x1E400] =	vst v63  }
0x66: {  	_ =	swait.ge [sflag:s19], $0x4000  }
0x67: {  	[sflag:s19] =	ssyncset.done $0x0  }
0x68: {  	[sflag:s19] =	ssyncadd.s32 $0xFFFFC000  }
0x69: {  	[tilespmem:s18], [sflag:$0x3] =	stream.linear.gather [spmem:s7], $0x4000, $0x38;
	[tilespmem:$0x1E400] =	vst v63  }
0x6a: {  	_ =	swait.ge [sflag:s19], $0x4000  }
0x6b: {  	[sflag:s19] =	ssyncset.done $0x0  }
0x6c: {  	[sflag:s19] =	ssyncadd.s32 $0xFFFFC000  }
0x6d: {  	[hbm4b:s13+s4] =	stream.linear.scatter [tilespmem:s18], [sflag:$0x3], $0x4000, $0x38;
	[tilespmem:$0x1E400] =	vst v63  }
0x6e: {  	_ =	swait.ge [sflag:s19], $0x4000  }
0x6f: {  	[sflag:s19] =	ssyncset.done $0x0  }
0x70: {  	[sflag:s19] =	ssyncadd.s32 $0xFFFFC000  }
0x71: {  	[tilespmem:s18], [sflag:$0x3] =	stream.linear.gather [spmem:s8], $0x4000, $0x38;
	[tilespmem:$0x1E400] =	vst v63  }
0x72: {  	_ =	swait.ge [sflag:s19], $0x4000  }
0x73: {  	[sflag:s19] =	ssyncset.done $0x0  }
0x74: {  	[sflag:s19] =	ssyncadd.s32 $0xFFFFC000  }
0x75: {  	[hbm4b:s14+s4] =	stream.linear.scatter [tilespmem:s18], [sflag:$0x3], $0x4000, $0x38;
	[tilespmem:$0x1E400] =	vst v63  }
0x76: {  	_ =	swait.ge [sflag:s19], $0x4000  }
0x77: {  	[sflag:s19] =	ssyncset.done $0x0  }
0x78: {  	[sflag:s19] =	ssyncadd.s32 $0xFFFFC000  }
0x79: {  	[tilespmem:s18], [sflag:$0x3] =	stream.linear.gather [spmem:s9], $0x3C00, $0x38;
	[tilespmem:$0x1E400] =	vst v63  }
0x7a: {  	s24 =	sadd.s32 $0x1, s24;
	_ =	swait.ge [sflag:s19], $0x3C00  }
0x7b: {  	p0 =	sne.s32 s24, s16;
	[sflag:s19] =	ssyncset.done $0x0  }
.Ltmp1:
0x7c: {  	[sflag:s19] =	ssyncadd.s32 $0xFFFFC400;
	(pc) =	sbr.rel @p0 .LBB2_1-.Ltmp1, $4  }
0x7d: {  	[hbm4b:s15+s4] =	stream.linear.scatter [tilespmem:s18], [sflag:$0x3], $0x3C00, $0x38;
	[tilespmem:$0x1E400] =	vst v63  }
0x7e: {  	_ =	swait.ge [sflag:s19], $0x3C00  }
0x7f: {  	[sflag:s19] =	ssyncset.done $0x0  }
0x80: {  	[sflag:s19] =	ssyncadd.s32 $0xFFFFC400  }
0x81: {  	_ =	sfence.sel $0x180000  }
0x82: {  	[bflag:$0x0] =	sbarrier.arrive $0xFFFF  }
0x83: {  	p0 =	sne.s32 s0, $0x0;
	_ =	strace $0x9000004A  }
0x84: {  	s0 =	sadd.s32 @!p0 $0x100000, s1;
	[bflag:$0x2] =	sbarrier.arrive $0xFFFF  }
0x85: {  	[sflag:s0] =	ssyncadd.tile.s32 @!p0 $0x1;
	_ =	shalt  }
.Lfunc_end2:
_tile_overlayer_lowered:
.L_overlay_start_2:
0x86: {  	(tag) =	ssettag $0x2  }
0x87: {  	s0 =	rddreg [dreg:$0x0];
	s2 =	stileid.u32  }
0x88: {  	s1 =	rddreg [dreg:$0x1];
	p0 =	sne.s32 s2, $0x0  }
0x89: {  	s3 =	rddreg [dreg:$0x2];
	[bflag:$0x3] =	sbarrier.arrive $0xFFFF;
	s2 =	simm.s32 @!p0 $0x1C03  }
0x8a: {  	[timem:s3], [sflag:s2] =	dma.local @!p0 [hbm:s0], s1  }
0x8b: {  	s0 =	simm.s32 @!p0 $0x3  }
0x8c: {  	_ =	swait.ge @!p0 [sflag:s0], s1  }
0x8d: {  	s1 =	ssub.s32 @!p0 $0x0, s1;
	[sflag:s0] =	ssyncset.done @!p0 $0x0  }
0x8e: {  	[sflag:s0] =	ssyncadd.s32 @!p0 s1  }
0x8f: {  	[bflag:$0x3] =	sbarrier.arrive $0xFFFF  }
0x90: {  	_ =	shalt  }

</sc_bundles>
